<compile_context>
chip_gen: v7x
topology: tpu7x:2x2x1
jax: 0.10.2.dev20260603
libtpu: 0.0.44.dev20260713+nightly
codegen_flags: <defaults>
</compile_context>

<pallas_src>
import functools

import jax
import jax.numpy as jnp
from jax import lax
from jax.experimental import pallas as pl
from jax.experimental.pallas import tpu as pltpu
from jax.experimental.pallas import tpu_sc as plsc

ALPHA = 0.25
GAMMA = 2.0
DIVIDE_LINE = 1.0 / 9.0

LANE = 128
ROWS = 784
RB = 112
NW = 32
GCHUNK = 49


def _match_kernel(boxes_ref, labels_ref, anc_ref, reg_ref,
                  posf_ref, ignf_ref, idx_ref, rsum_ref, npos_ref,
                  *, n_anchors, n_classes, n_boxes):
    i = pl.program_id(0)
    j = pl.program_id(1)

    @pl.when(j == 0)
    def _init():
        rsum_ref[...] = jnp.zeros_like(rsum_ref)
        npos_ref[...] = jnp.zeros_like(npos_ref)

    ax0 = anc_ref[0]
    ay0 = anc_ref[1]
    ax1 = anc_ref[2]
    ay1 = anc_ref[3]
    area_a = (ax1 - ax0) * (ay1 - ay0)

    best_iou = jnp.full(ax0.shape, -1.0, jnp.float32)
    best_lab = jnp.zeros(ax0.shape, jnp.float32)
    bgx0 = jnp.zeros(ax0.shape, jnp.float32)
    bgy0 = jnp.zeros(ax0.shape, jnp.float32)
    bgx1 = jnp.zeros(ax0.shape, jnp.float32)
    bgy1 = jnp.zeros(ax0.shape, jnp.float32)

    for m in range(n_boxes):
        bx0 = boxes_ref[0, 0, 4 * m + 0]
        by0 = boxes_ref[0, 0, 4 * m + 1]
        bx1 = boxes_ref[0, 0, 4 * m + 2]
        by1 = boxes_ref[0, 0, 4 * m + 3]
        area_b = (bx1 - bx0) * (by1 - by0)
        wx = jnp.clip(jnp.minimum(ax1, bx1) - jnp.maximum(ax0, bx0), 0.0)
        wy = jnp.clip(jnp.minimum(ay1, by1) - jnp.maximum(ay0, by0), 0.0)
        inter = wx * wy
        union = area_a + area_b - inter
        iou = inter / jnp.maximum(union, 1e-09)
        upd = iou > best_iou
        best_iou = jnp.where(upd, iou, best_iou)
        lab = labels_ref[0, 0, m]
        best_lab = jnp.where(upd, lab, best_lab)
        bgx0 = jnp.where(upd, bx0, bgx0)
        bgy0 = jnp.where(upd, by0, bgy0)
        bgx1 = jnp.where(upd, bx1, bgx1)
        bgy1 = jnp.where(upd, by1, bgy1)

    a_idx = (jax.lax.broadcasted_iota(jnp.int32, ax0.shape, 0) * LANE
             + jax.lax.broadcasted_iota(jnp.int32, ax0.shape, 1)
             + j * (RB * LANE))
    valid = a_idx < n_anchors
    validf = valid.astype(jnp.float32)

    posf = (best_iou >= 0.5).astype(jnp.float32) * validf
    ignf = (jnp.logical_and(best_iou >= 0.4, best_iou < 0.5)
            .astype(jnp.float32) * validf)
    posf_ref[0] = posf
    ignf_ref[0] = ignf
    flat = (i * (n_anchors * n_classes) + a_idx * n_classes
            + best_lab.astype(jnp.int32))
    idx_ref[0] = jnp.where(valid, flat, 0)
    npos_ref[0] += jnp.sum(posf, axis=0, keepdims=True)

    aw = ax1 - ax0
    ah = ay1 - ay0
    acx = ax0 + 0.5 * aw
    acy = ay0 + 0.5 * ah
    gw = bgx1 - bgx0
    gh = bgy1 - bgy0
    gcx = bgx0 + 0.5 * gw
    gcy = bgy0 + 0.5 * gh
    t0 = (gcx - acx) / aw
    t1 = (gcy - acy) / ah
    t2 = jnp.log(gw / aw)
    t3 = jnp.log(gh / ah)

    sl_acc = jnp.zeros(ax0.shape, jnp.float32)
    for k, t in enumerate((t0, t1, t2, t3)):
        diff = jnp.abs(reg_ref[0, k] - t)
        sl_acc += jnp.where(diff < DIVIDE_LINE,
                            0.5 / DIVIDE_LINE * diff * diff,
                            diff - 0.5 * DIVIDE_LINE)
    rsum_ref[0] += jnp.sum(sl_acc * posf, axis=0, keepdims=True)


def _dense_kernel(cls_ref, bsum_ref):
    j = pl.program_id(1)

    @pl.when(j == 0)
    def _init():
        bsum_ref[...] = jnp.zeros_like(bsum_ref)

    p = jnp.clip(cls_ref[0], 1e-06, 1.0 - 1e-06)
    bg = (1.0 - ALPHA) * -jnp.log(1.0 - p) * p * p
    bsum_ref[0] += jnp.sum(bg, axis=(0, 1), keepdims=True)


def _corr_kernel(pam_ref, posf_ref, ignf_ref, csum_ref):
    p = jnp.clip(pam_ref[0], 1e-06, 1.0 - 1e-06)
    q = 1.0 - p
    bg_m = (1.0 - ALPHA) * -jnp.log(q) * p * p
    fg_m = ALPHA * -jnp.log(p) * q * q
    corr = posf_ref[0] * (fg_m - bg_m) - ignf_ref[0] * bg_m
    csum_ref[0] = jnp.sum(corr, axis=0, keepdims=True)


def _gather_kernel(table_ref, idx_hbm_ref, out_ref, idx_v, rows_v, sem):
    wid = lax.axis_index("s") * 2 + lax.axis_index("c")
    pltpu.sync_copy(idx_hbm_ref.at[wid], idx_v)
    pltpu.async_copy(table_ref.at[idx_v], rows_v, sem).wait()
    pltpu.sync_copy(rows_v, out_ref.at[wid])


def _sc_gather(cls_flat, idx):
    mesh = plsc.VectorSubcoreMesh(core_axis_name="c", subcore_axis_name="s")
    fn = functools.partial(
        pl.kernel,
        out_type=jax.ShapeDtypeStruct((NW, GCHUNK * LANE), jnp.float32),
        mesh=mesh,
        scratch_types=[
            pltpu.VMEM((GCHUNK * LANE,), jnp.int32),
            pltpu.VMEM((GCHUNK * LANE,), jnp.float32),
            pltpu.SemaphoreType.DMA,
        ],
    )(_gather_kernel)
    return fn(cls_flat, idx)


@jax.jit
def kernel(classifications, regressions, anchors, gt_boxes, gt_labels):
    n, a, c = classifications.shape
    m = gt_boxes.shape[1]
    a_pad = ROWS * LANE

    anc_pad = jnp.concatenate(
        [anchors,
         jnp.broadcast_to(jnp.array([0.0, 0.0, 1.0, 1.0], jnp.float32),
                          (a_pad - a, 4))], axis=0)
    anc_t = anc_pad.T.reshape(4, ROWS, LANE)
    reg_pad = jnp.pad(regressions, ((0, 0), (0, a_pad - a), (0, 0)))
    reg_t = reg_pad.transpose(0, 2, 1).reshape(n, 4, ROWS, LANE)
    boxes_s = gt_boxes.reshape(n, 1, 4 * m)
    labels_s = gt_labels.astype(jnp.float32).reshape(n, 1, m)

    posf, ignf, idxm, rsum, npos = pl.pallas_call(
        functools.partial(_match_kernel, n_anchors=a, n_classes=c,
                          n_boxes=m),
        grid=(n, ROWS // RB),
        in_specs=[
            pl.BlockSpec((1, 1, 4 * m), lambda i, j: (i, 0, 0),
                         memory_space=pltpu.MemorySpace.SMEM),
            pl.BlockSpec((1, 1, m), lambda i, j: (i, 0, 0),
                         memory_space=pltpu.MemorySpace.SMEM),
            pl.BlockSpec((4, RB, LANE), lambda i, j: (0, j, 0)),
            pl.BlockSpec((1, 4, RB, LANE), lambda i, j: (i, 0, j, 0)),
        ],
        out_specs=[
            pl.BlockSpec((1, RB, LANE), lambda i, j: (i, j, 0)),
            pl.BlockSpec((1, RB, LANE), lambda i, j: (i, j, 0)),
            pl.BlockSpec((1, RB, LANE), lambda i, j: (i, j, 0)),
            pl.BlockSpec((1, 1, LANE), lambda i, j: (i, 0, 0)),
            pl.BlockSpec((1, 1, LANE), lambda i, j: (i, 0, 0)),
        ],
        out_shape=[
            jax.ShapeDtypeStruct((n, ROWS, LANE), jnp.float32),
            jax.ShapeDtypeStruct((n, ROWS, LANE), jnp.float32),
            jax.ShapeDtypeStruct((n, ROWS, LANE), jnp.int32),
            jax.ShapeDtypeStruct((n, 1, LANE), jnp.float32),
            jax.ShapeDtypeStruct((n, 1, LANE), jnp.float32),
        ],
    )(boxes_s, labels_s, anc_t, reg_t)

    cls_flat = classifications.reshape(-1)
    pam = _sc_gather(cls_flat,
                     idxm.reshape(NW, GCHUNK * LANE)).reshape(n, ROWS, LANE)

    corr = pl.pallas_call(
        _corr_kernel,
        grid=(n,),
        in_specs=[
            pl.BlockSpec((1, ROWS, LANE), lambda i: (i, 0, 0)),
            pl.BlockSpec((1, ROWS, LANE), lambda i: (i, 0, 0)),
            pl.BlockSpec((1, ROWS, LANE), lambda i: (i, 0, 0)),
        ],
        out_specs=pl.BlockSpec((1, 1, LANE), lambda i: (i, 0, 0)),
        out_shape=jax.ShapeDtypeStruct((n, 1, LANE), jnp.float32),
    )(pam, posf, ignf)

    cls4 = cls_flat.reshape(n, 625, 100, LANE)
    bsum = pl.pallas_call(
        _dense_kernel,
        grid=(n, 125),
        in_specs=[pl.BlockSpec((1, 5, 100, LANE), lambda i, j: (i, j, 0, 0))],
        out_specs=pl.BlockSpec((1, 1, 1, LANE), lambda i, j: (i, 0, 0, 0)),
        out_shape=jax.ShapeDtypeStruct((n, 1, 1, LANE), jnp.float32),
    )(cls4)

    csum = jnp.sum(bsum, axis=(1, 2, 3)) + jnp.sum(corr, axis=(1, 2))
    np_ = jnp.sum(npos, axis=(1, 2))
    rs = jnp.sum(rsum, axis=(1, 2))
    denom = jnp.maximum(np_, 1.0)
    class_loss = jnp.mean(csum / denom)
    reg_loss = jnp.mean(jnp.where(np_ > 0, rs / (denom * 4.0), 0.0))
    return (class_loss, reg_loss)

# --- scband reference (transcript-rebuilt; emitter-appended) ---
"""Pipeline reference for scband-focal-loss-65283502899339 (READ-ONLY COPY).

The authoritative reference and input builder live on the scoring server;
editing this copy changes nothing except your own understanding.
"""

import jax, jax.numpy as jnp
import numpy as np

ALPHA = 0.25
GAMMA = 2.0
DIVIDE_LINE = 1.0 / 9.0
N, A, C, M = 2, 100000, 80, 32


def box_iou(a, b):
    area_a = (a[:, 2] - a[:, 0]) * (a[:, 3] - a[:, 1])
    area_b = (b[:, 2] - b[:, 0]) * (b[:, 3] - b[:, 1])
    lt = jnp.maximum(a[:, None, :2], b[None, :, :2])
    rb = jnp.minimum(a[:, None, 2:], b[None, :, 2:])
    wh = jnp.clip(rb - lt, 0.0)
    inter = wh[..., 0] * wh[..., 1]
    union = area_a[:, None] + area_b[None, :] - inter
    return inter / jnp.maximum(union, 1e-09)


def encode_boxes(boxes, anchors):
    aw = anchors[:, 2] - anchors[:, 0]
    ah = anchors[:, 3] - anchors[:, 1]
    acx = anchors[:, 0] + 0.5 * aw
    acy = anchors[:, 1] + 0.5 * ah
    gw = boxes[:, 2] - boxes[:, 0]
    gh = boxes[:, 3] - boxes[:, 1]
    gcx = boxes[:, 0] + 0.5 * gw
    gcy = boxes[:, 1] + 0.5 * gh
    dx = (gcx - acx) / aw
    dy = (gcy - acy) / ah
    dw = jnp.log(gw / aw)
    dh = jnp.log(gh / ah)
    return jnp.stack([dx, dy, dw, dh], axis=-1)


def setup_inputs(seed: int = 0):
    key = jax.random.key(seed)
    ks = jax.random.split(key, 7)
    classifications = jax.random.uniform(ks[0], (N, A, C), dtype=jnp.float32)
    regressions = jax.random.normal(ks[1], (N, A, 4), dtype=jnp.float32)
    cxy = jax.random.uniform(ks[2], (A, 2), minval=32.0, maxval=992.0, dtype=jnp.float32)
    wh = jax.random.uniform(ks[3], (A, 2), minval=16.0, maxval=128.0, dtype=jnp.float32)
    anchors = jnp.concatenate([cxy - 0.5 * wh, cxy + 0.5 * wh], axis=-1)
    idx = jax.random.randint(ks[4], (N, M), 0, A)
    gt_boxes = anchors[idx] + jax.random.uniform(ks[5], (N, M, 4), minval=-2.0, maxval=2.0, dtype=jnp.float32)
    gt_labels = jax.random.randint(ks[6], (N, M), 0, C)
    return {"classifications": classifications, "regressions": regressions, "anchors": anchors, "gt_boxes": gt_boxes, "gt_labels": gt_labels}


def reference(classifications, regressions, anchors, gt_boxes, gt_labels):
    class_losses = []
    reg_losses = []
    n = classifications.shape[0]
    for i in range(n):
        cls = classifications[i]
        reg = regressions[i]
        boxes = gt_boxes[i]
        labels_ori = gt_labels[i]
        iou_mat = box_iou(anchors, boxes)
        iou = jnp.max(iou_mat, axis=1)
        matched = jnp.argmax(iou_mat, axis=1)
        matched_labels = jnp.take(labels_ori, matched, axis=0)
        onehot = jax.nn.one_hot(matched_labels, cls.shape[-1], dtype=cls.dtype)
        pos = iou >= 0.5
        ign = (iou >= 0.4) & (iou < 0.5)
        labels = pos[:, None].astype(cls.dtype) * onehot - ign[:, None].astype(cls.dtype) * onehot
        p = jnp.clip(cls, 1e-06, 1.0 - 1e-06)
        valid = (labels >= 0).astype(cls.dtype)
        fl = (ALPHA * labels * -jnp.log(p) * (1.0 - p) ** GAMMA + (1.0 - ALPHA) * (1.0 - labels) * -jnp.log(1.0 - p) * p ** GAMMA) * valid
        num_pos = jnp.sum(pos)
        denom_c = jnp.maximum(num_pos, 1).astype(cls.dtype)
        class_losses.append(jnp.sum(fl) / denom_c)
        matched_boxes = jnp.take(boxes, matched, axis=0)
        reg_true = encode_boxes(matched_boxes, anchors)
        diff = jnp.abs(reg - reg_true)
        sl = jnp.where(diff < DIVIDE_LINE, 0.5 / DIVIDE_LINE * diff ** 2, diff - 0.5 * DIVIDE_LINE)
        posf = pos.astype(cls.dtype)[:, None]
        reg_loss_i = jnp.sum(sl * posf) / (denom_c * 4.0)
        reg_losses.append(jnp.where(num_pos > 0, reg_loss_i, 0.0))
    class_loss = sum(class_losses) / n
    reg_loss = sum(reg_losses) / n
    return (class_loss, reg_loss)

if __name__ == "__main__":
    import jax
    _d = setup_inputs()
    print(jax.jit(kernel)(*tuple(_d.values())))

</pallas_src>

<mosaic_0001>
#map = affine_map<(d0, d1) -> (0)>
#map1 = affine_map<(d0, d1) -> (0, 0)>
module attributes {stable_mosaic.version = 14 : i64} {
  func.func @_gather_kernel(%arg0: i32, %arg1: i32, %arg2: memref<16000000xf32, #tpu.memory_space<hbm>>, %arg3: memref<32x6272xi32, #tpu.memory_space<hbm>>, %arg4: memref<32x6272xf32, #tpu.memory_space<hbm>>, %arg5: memref<6272xi32, #tpu.memory_space<vmem>>, %arg6: memref<6272xf32, #tpu.memory_space<vmem>>, %arg7: memref<!tpu.dma_semaphore, #tpu.memory_space<semaphore_mem>>) attributes {dimension_semantics = [#tpu.dimension_semantics<core_parallel>, #tpu.dimension_semantics<subcore_parallel>], iteration_bounds = array<i64: 2, 16>, scalar_prefetch = 0 : i64, scratch_operands = 3 : i64, tpu.core_type = #tpu.core_type<sc_vector_subcore>, window_params = [{transform_indices = #map}, {transform_indices = #map1}, {transform_indices = #map1}]} {
    %mul3A = arith.constant 2 : i32
    %mul3A_0 = arith.muli %arg1, %mul3A : i32
    %add3A = arith.addi %mul3A_0, %arg0 : i32
    "tpu.region"() ({
      %run_scoped3A = tpu.sem_alloc : memref<!tpu.dma_semaphore, #tpu.memory_space<semaphore_mem>>
      %dma_start3A_3 = arith.constant 0 : i32
      %dma_start3A_4 = tpu.memref_slice %arg3[%add3A, %dma_start3A_3] : memref<32x6272xi32, #tpu.memory_space<hbm>> -> memref<1x6272xi32, #tpu.memory_space<hbm>>
      %dma_start3A_5 = tpu.memref_squeeze %dma_start3A_4 : memref<1x6272xi32, #tpu.memory_space<hbm>> -> memref<6272xi32, #tpu.memory_space<hbm>>
      %dma_start3A_6 = arith.constant 0 : i32
      %dma_start3A_7 = tpu.memref_slice %arg3[%add3A, %dma_start3A_6] : memref<32x6272xi32, #tpu.memory_space<hbm>> -> memref<1x6272xi32, #tpu.memory_space<hbm>>
      %dma_start3A_8 = tpu.memref_squeeze %dma_start3A_7 : memref<1x6272xi32, #tpu.memory_space<hbm>> -> memref<6272xi32, #tpu.memory_space<hbm>>
      tpu.enqueue_dma source(%dma_start3A_8 : memref<6272xi32, #tpu.memory_space<hbm>>) target(%arg5 : memref<6272xi32, #tpu.memory_space<vmem>>) target_semaphore(%run_scoped3A : memref<!tpu.dma_semaphore, #tpu.memory_space<semaphore_mem>>)
      %dma_wait3A_9 = arith.constant 0 : i32
      %dma_wait3A_10 = tpu.memref_slice %arg3[%add3A, %dma_wait3A_9] : memref<32x6272xi32, #tpu.memory_space<hbm>> -> memref<1x6272xi32, #tpu.memory_space<hbm>>
      %dma_wait3A_11 = tpu.memref_squeeze %dma_wait3A_10 : memref<1x6272xi32, #tpu.memory_space<hbm>> -> memref<6272xi32, #tpu.memory_space<hbm>>
      %dma_wait3A_12 = arith.constant 0 : i32
      %dma_wait3A_13 = tpu.memref_slice %arg3[%add3A, %dma_wait3A_12] : memref<32x6272xi32, #tpu.memory_space<hbm>> -> memref<1x6272xi32, #tpu.memory_space<hbm>>
      %dma_wait3A_14 = tpu.memref_squeeze %dma_wait3A_13 : memref<1x6272xi32, #tpu.memory_space<hbm>> -> memref<6272xi32, #tpu.memory_space<hbm>>
      tpu.wait_dma2 semaphore(%run_scoped3A : memref<!tpu.dma_semaphore, #tpu.memory_space<semaphore_mem>>) src(%dma_wait3A_14 : memref<6272xi32, #tpu.memory_space<hbm>>) dst(%arg5 : memref<6272xi32, #tpu.memory_space<vmem>>)
      tpu.yield
    }) : () -> ()
    %dma_start3A = arith.constant 0 : i32
    %dma_start3A_1 = tpu.memref_slice %arg2[%dma_start3A] : memref<16000000xf32, #tpu.memory_space<hbm>> -> memref<16000000xf32, #tpu.memory_space<hbm>>
    tpu.enqueue_indirect_dma source(%dma_start3A_1 : memref<16000000xf32, #tpu.memory_space<hbm>>) target(%arg6 : memref<6272xf32, #tpu.memory_space<vmem>>) offsets(%arg5 : memref<6272xi32, #tpu.memory_space<vmem>>) semaphore(%arg7 : memref<!tpu.dma_semaphore, #tpu.memory_space<semaphore_mem>>)
    %dma_wait3A = arith.constant 0 : i32
    %dma_wait3A_2 = tpu.memref_slice %arg2[%dma_wait3A] : memref<16000000xf32, #tpu.memory_space<hbm>> -> memref<16000000xf32, #tpu.memory_space<hbm>>
    tpu.wait_indirect_dma semaphore(%arg7 : memref<!tpu.dma_semaphore, #tpu.memory_space<semaphore_mem>>) src(%dma_wait3A_2 : memref<16000000xf32, #tpu.memory_space<hbm>>) dst(%arg6 : memref<6272xf32, #tpu.memory_space<vmem>>)
    "tpu.region"() ({
      %run_scoped3A = tpu.sem_alloc : memref<!tpu.dma_semaphore, #tpu.memory_space<semaphore_mem>>
      %dma_start3A_3 = arith.constant 0 : i32
      %dma_start3A_4 = tpu.memref_slice %arg4[%add3A, %dma_start3A_3] : memref<32x6272xf32, #tpu.memory_space<hbm>> -> memref<1x6272xf32, #tpu.memory_space<hbm>>
      %dma_start3A_5 = tpu.memref_squeeze %dma_start3A_4 : memref<1x6272xf32, #tpu.memory_space<hbm>> -> memref<6272xf32, #tpu.memory_space<hbm>>
      %dma_start3A_6 = arith.constant 0 : i32
      %dma_start3A_7 = tpu.memref_slice %arg4[%add3A, %dma_start3A_6] : memref<32x6272xf32, #tpu.memory_space<hbm>> -> memref<1x6272xf32, #tpu.memory_space<hbm>>
      %dma_start3A_8 = tpu.memref_squeeze %dma_start3A_7 : memref<1x6272xf32, #tpu.memory_space<hbm>> -> memref<6272xf32, #tpu.memory_space<hbm>>
      tpu.enqueue_dma source(%arg6 : memref<6272xf32, #tpu.memory_space<vmem>>) target(%dma_start3A_8 : memref<6272xf32, #tpu.memory_space<hbm>>) target_semaphore(%run_scoped3A : memref<!tpu.dma_semaphore, #tpu.memory_space<semaphore_mem>>)
      %dma_wait3A_9 = arith.constant 0 : i32
      %dma_wait3A_10 = tpu.memref_slice %arg4[%add3A, %dma_wait3A_9] : memref<32x6272xf32, #tpu.memory_space<hbm>> -> memref<1x6272xf32, #tpu.memory_space<hbm>>
      %dma_wait3A_11 = tpu.memref_squeeze %dma_wait3A_10 : memref<1x6272xf32, #tpu.memory_space<hbm>> -> memref<6272xf32, #tpu.memory_space<hbm>>
      %dma_wait3A_12 = arith.constant 0 : i32
      %dma_wait3A_13 = tpu.memref_slice %arg4[%add3A, %dma_wait3A_12] : memref<32x6272xf32, #tpu.memory_space<hbm>> -> memref<1x6272xf32, #tpu.memory_space<hbm>>
      %dma_wait3A_14 = tpu.memref_squeeze %dma_wait3A_13 : memref<1x6272xf32, #tpu.memory_space<hbm>> -> memref<6272xf32, #tpu.memory_space<hbm>>
      tpu.wait_dma2 semaphore(%run_scoped3A : memref<!tpu.dma_semaphore, #tpu.memory_space<semaphore_mem>>) src(%arg6 : memref<6272xf32, #tpu.memory_space<vmem>>) dst(%dma_wait3A_14 : memref<6272xf32, #tpu.memory_space<hbm>>)
      tpu.yield
    }) : () -> ()
    return
  }
}

module attributes {stable_mosaic.version = 14 : i64} {
  func.func @_match_kernel(%arg0: i32, %arg1: i32, %arg2: memref<1x1x128xf32, #tpu.memory_space<smem>>, %arg3: memref<1x1x32xf32, #tpu.memory_space<smem>>, %arg4: memref<4x112x128xf32, #tpu.memory_space<vmem>>, %arg5: memref<1x4x112x128xf32, #tpu.memory_space<vmem>>, %arg6: memref<1x112x128xf32, #tpu.memory_space<vmem>>, %arg7: memref<1x112x128xf32, #tpu.memory_space<vmem>>, %arg8: memref<1x112x128xi32, #tpu.memory_space<vmem>>, %arg9: memref<1x1x128xf32, #tpu.memory_space<vmem>>, %arg10: memref<1x1x128xf32, #tpu.memory_space<vmem>>) attributes {dimension_semantics = [#tpu.dimension_semantics<arbitrary>, #tpu.dimension_semantics<arbitrary>], iteration_bounds = array<i64: 2, 7>, scalar_prefetch = 0 : i64, scratch_operands = 0 : i64, tpu.core_type = #tpu.core_type<tc>, window_params = [{transform_indices = @transform_0, window_bounds = array<i64: 1, 1, 128>}, {transform_indices = @transform_1, window_bounds = array<i64: 1, 1, 32>}, {transform_indices = @transform_2, window_bounds = array<i64: 4, 112, 128>}, {transform_indices = @transform_3, window_bounds = array<i64: 1, 4, 112, 128>}, {transform_indices = @transform_4, window_bounds = array<i64: 1, 112, 128>}, {transform_indices = @transform_5, window_bounds = array<i64: 1, 112, 128>}, {transform_indices = @transform_6, window_bounds = array<i64: 1, 112, 128>}, {transform_indices = @transform_7, window_bounds = array<i64: 1, 1, 128>}, {transform_indices = @transform_8, window_bounds = array<i64: 1, 1, 128>}]} {
    %eq3A = arith.constant 0 : i32
    %eq3A_0 = arith.cmpi eq, %arg1, %eq3A : i32
    %convert_element_type3A = arith.extui %eq3A_0 : i1 to i32
    %cond3A = arith.constant 0 : i32
    %cond3A_1 = arith.cmpi ne, %convert_element_type3A, %cond3A : i32
    scf.if %cond3A_1 {
      %broadcast_in_dim3A_2108 = arith.constant 0.000000e+00 : f32
      %broadcast_in_dim3A_2109 = vector.broadcast %broadcast_in_dim3A_2108 : f32 to vector<1x1x128xf32>
      %swap3A_2110 = arith.constant 0 : index
      %swap3A_2111 = arith.constant 0 : index
      %swap3A_2112 = arith.constant 0 : index
      %swap3A_2113 = vector.load %arg9[%swap3A_2110, %swap3A_2111, %swap3A_2112] : memref<1x1x128xf32, #tpu.memory_space<vmem>>, vector<1x1x128xf32>
      tpu.vector_store %arg9[%swap3A_2110, %swap3A_2111, %swap3A_2112], %broadcast_in_dim3A_2109 {strides = array<i32>} : memref<1x1x128xf32, #tpu.memory_space<vmem>>, vector<1x1x128xf32>,
      %broadcast_in_dim3A_2114 = arith.constant 0.000000e+00 : f32
      %broadcast_in_dim3A_2115 = vector.broadcast %broadcast_in_dim3A_2114 : f32 to vector<1x1x128xf32>
      %swap3A_2116 = arith.constant 0 : index
      %swap3A_2117 = arith.constant 0 : index
      %swap3A_2118 = arith.constant 0 : index
      %swap3A_2119 = vector.load %arg10[%swap3A_2116, %swap3A_2117, %swap3A_2118] : memref<1x1x128xf32, #tpu.memory_space<vmem>>, vector<1x1x128xf32>
      tpu.vector_store %arg10[%swap3A_2116, %swap3A_2117, %swap3A_2118], %broadcast_in_dim3A_2115 {strides = array<i32>} : memref<1x1x128xf32, #tpu.memory_space<vmem>>, vector<1x1x128xf32>,
    } else {
    }
    %get3A = arith.constant 0 : index
    %get3A_2 = arith.constant 0 : index
    %get3A_3 = arith.constant 0 : index
    %get3A_4 = vector.load %arg4[%get3A, %get3A_2, %get3A_3] : memref<4x112x128xf32, #tpu.memory_space<vmem>>, vector<1x112x128xf32>
    %get3A_5 = vector.shape_cast %get3A_4 : vector<1x112x128xf32> to vector<112x128xf32>
    %get3A_6 = arith.constant 1 : index
    %get3A_7 = arith.constant 0 : index
    %get3A_8 = arith.constant 0 : index
    %get3A_9 = vector.load %arg4[%get3A_6, %get3A_7, %get3A_8] : memref<4x112x128xf32, #tpu.memory_space<vmem>>, vector<1x112x128xf32>
    %get3A_10 = vector.shape_cast %get3A_9 : vector<1x112x128xf32> to vector<112x128xf32>
    %get3A_11 = arith.constant 2 : index
    %get3A_12 = arith.constant 0 : index
    %get3A_13 = arith.constant 0 : index
    %get3A_14 = vector.load %arg4[%get3A_11, %get3A_12, %get3A_13] : memref<4x112x128xf32, #tpu.memory_space<vmem>>, vector<1x112x128xf32>
    %get3A_15 = vector.shape_cast %get3A_14 : vector<1x112x128xf32> to vector<112x128xf32>
    %get3A_16 = arith.constant 3 : index
    %get3A_17 = arith.constant 0 : index
    %get3A_18 = arith.constant 0 : index
    %get3A_19 = vector.load %arg4[%get3A_16, %get3A_17, %get3A_18] : memref<4x112x128xf32, #tpu.memory_space<vmem>>, vector<1x112x128xf32>
    %get3A_20 = vector.shape_cast %get3A_19 : vector<1x112x128xf32> to vector<112x128xf32>
    %sub3A = arith.subf %get3A_15, %get3A_5 : vector<112x128xf32>
    %sub3A_21 = arith.subf %get3A_20, %get3A_10 : vector<112x128xf32>
    %mul3A = arith.mulf %sub3A, %sub3A_21 : vector<112x128xf32>
    %broadcast_in_dim3A = arith.constant -1.000000e+00 : f32
    %broadcast_in_dim3A_22 = vector.broadcast %broadcast_in_dim3A : f32 to vector<112x128xf32>
    %broadcast_in_dim3A_23 = arith.constant 0.000000e+00 : f32
    %broadcast_in_dim3A_24 = vector.broadcast %broadcast_in_dim3A_23 : f32 to vector<112x128xf32>
    %broadcast_in_dim3A_25 = arith.constant 0.000000e+00 : f32
    %broadcast_in_dim3A_26 = vector.broadcast %broadcast_in_dim3A_25 : f32 to vector<112x128xf32>
    %broadcast_in_dim3A_27 = arith.constant 0.000000e+00 : f32
    %broadcast_in_dim3A_28 = vector.broadcast %broadcast_in_dim3A_27 : f32 to vector<112x128xf32>
    %broadcast_in_dim3A_29 = arith.constant 0.000000e+00 : f32
    %broadcast_in_dim3A_30 = vector.broadcast %broadcast_in_dim3A_29 : f32 to vector<112x128xf32>
    %broadcast_in_dim3A_31 = arith.constant 0.000000e+00 : f32
    %broadcast_in_dim3A_32 = vector.broadcast %broadcast_in_dim3A_31 : f32 to vector<112x128xf32>
    %get3A_33 = arith.constant 0 : index
    %get3A_34 = arith.constant 0 : index
    %get3A_35 = arith.constant 0 : index
    %get3A_36 = memref.load %arg2[%get3A_33, %get3A_34, %get3A_35] : memref<1x1x128xf32, #tpu.memory_space<smem>>
    %get3A_37 = arith.constant 0 : index
    %get3A_38 = arith.constant 0 : index
    %get3A_39 = arith.constant 1 : index
    %get3A_40 = memref.load %arg2[%get3A_37, %get3A_38, %get3A_39] : memref<1x1x128xf32, #tpu.memory_space<smem>>
    %get3A_41 = arith.constant 0 : index
    %get3A_42 = arith.constant 0 : index
    %get3A_43 = arith.constant 2 : index
    %get3A_44 = memref.load %arg2[%get3A_41, %get3A_42, %get3A_43] : memref<1x1x128xf32, #tpu.memory_space<smem>>
    %get3A_45 = arith.constant 0 : index
    %get3A_46 = arith.constant 0 : index
    %get3A_47 = arith.constant 3 : index
    %get3A_48 = memref.load %arg2[%get3A_45, %get3A_46, %get3A_47] : memref<1x1x128xf32, #tpu.memory_space<smem>>
    %sub3A_49 = arith.subf %get3A_44, %get3A_36 : f32
    %sub3A_50 = arith.subf %get3A_48, %get3A_40 : f32
    %mul3A_51 = arith.mulf %sub3A_49, %sub3A_50 : f32
    %min3A = vector.broadcast %get3A_44 : f32 to vector<112x128xf32>
    %min3A_52 = arith.minimumf %get3A_15, %min3A : vector<112x128xf32>
    %max3A = vector.broadcast %get3A_36 : f32 to vector<112x128xf32>
    %max3A_53 = arith.maximumf %get3A_5, %max3A : vector<112x128xf32>
    %sub3A_54 = arith.subf %min3A_52, %max3A_53 : vector<112x128xf32>
    %jit3A = arith.constant 0.000000e+00 : f32
    %max3A_55 = vector.broadcast %jit3A : f32 to vector<112x128xf32>
    %max3A_56 = arith.maximumf %max3A_55, %sub3A_54 : vector<112x128xf32>
    %min3A_57 = vector.broadcast %get3A_48 : f32 to vector<112x128xf32>
    %min3A_58 = arith.minimumf %get3A_20, %min3A_57 : vector<112x128xf32>
    %max3A_59 = vector.broadcast %get3A_40 : f32 to vector<112x128xf32>
    %max3A_60 = arith.maximumf %get3A_10, %max3A_59 : vector<112x128xf32>
    %sub3A_61 = arith.subf %min3A_58, %max3A_60 : vector<112x128xf32>
    %jit3A_62 = arith.constant 0.000000e+00 : f32
    %max3A_63 = vector.broadcast %jit3A_62 : f32 to vector<112x128xf32>
    %max3A_64 = arith.maximumf %max3A_63, %sub3A_61 : vector<112x128xf32>
    %mul3A_65 = arith.mulf %max3A_56, %max3A_64 : vector<112x128xf32>
    %add3A = vector.broadcast %mul3A_51 : f32 to vector<112x128xf32>
    %add3A_66 = arith.addf %mul3A, %add3A : vector<112x128xf32>
    %sub3A_67 = arith.subf %add3A_66, %mul3A_65 : vector<112x128xf32>
    %max3A_68 = arith.constant 9.99999971E-10 : f32
    %max3A_69 = vector.broadcast %max3A_68 : f32 to vector<112x128xf32>
    %max3A_70 = arith.maximumf %sub3A_67, %max3A_69 : vector<112x128xf32>
    %div3A = arith.divf %mul3A_65, %max3A_70 : vector<112x128xf32>
    %gt3A = arith.cmpf ogt, %div3A, %broadcast_in_dim3A_22 : vector<112x128xf32>
    %select_n3A = arith.select %gt3A, %div3A, %broadcast_in_dim3A_22 : vector<112x128xi1>, vector<112x128xf32>
    %get3A_71 = arith.constant 0 : index
    %get3A_72 = arith.constant 0 : index
    %get3A_73 = arith.constant 0 : index
    %get3A_74 = memref.load %arg3[%get3A_71, %get3A_72, %get3A_73] : memref<1x1x32xf32, #tpu.memory_space<smem>>
    %broadcast_in_dim3A_75 = vector.broadcast %get3A_74 : f32 to vector<112x128xf32>
    %select_n3A_76 = arith.select %gt3A, %broadcast_in_dim3A_75, %broadcast_in_dim3A_24 : vector<112x128xi1>, vector<112x128xf32>
    %broadcast_in_dim3A_77 = vector.broadcast %get3A_36 : f32 to vector<112x128xf32>
    %select_n3A_78 = arith.select %gt3A, %broadcast_in_dim3A_77, %broadcast_in_dim3A_26 : vector<112x128xi1>, vector<112x128xf32>
    %broadcast_in_dim3A_79 = vector.broadcast %get3A_40 : f32 to vector<112x128xf32>
    %select_n3A_80 = arith.select %gt3A, %broadcast_in_dim3A_79, %broadcast_in_dim3A_28 : vector<112x128xi1>, vector<112x128xf32>
    %broadcast_in_dim3A_81 = vector.broadcast %get3A_44 : f32 to vector<112x128xf32>
    %select_n3A_82 = arith.select %gt3A, %broadcast_in_dim3A_81, %broadcast_in_dim3A_30 : vector<112x128xi1>, vector<112x128xf32>
    %broadcast_in_dim3A_83 = vector.broadcast %get3A_48 : f32 to vector<112x128xf32>
    %select_n3A_84 = arith.select %gt3A, %broadcast_in_dim3A_83, %broadcast_in_dim3A_32 : vector<112x128xi1>, vector<112x128xf32>
    %get3A_85 = arith.constant 0 : index
    %get3A_86 = arith.constant 0 : index
    %get3A_87 = arith.constant 4 : index
    %get3A_88 = memref.load %arg2[%get3A_85, %get3A_86, %get3A_87] : memref<1x1x128xf32, #tpu.memory_space<smem>>
    %get3A_89 = arith.constant 0 : index
    %get3A_90 = arith.constant 0 : index
    %get3A_91 = arith.constant 5 : index
    %get3A_92 = memref.load %arg2[%get3A_89, %get3A_90, %get3A_91] : memref<1x1x128xf32, #tpu.memory_space<smem>>
    %get3A_93 = arith.constant 0 : index
    %get3A_94 = arith.constant 0 : index
    %get3A_95 = arith.constant 6 : index
    %get3A_96 = memref.load %arg2[%get3A_93, %get3A_94, %get3A_95] : memref<1x1x128xf32, #tpu.memory_space<smem>>
    %get3A_97 = arith.constant 0 : index
    %get3A_98 = arith.constant 0 : index
    %get3A_99 = arith.constant 7 : index
    %get3A_100 = memref.load %arg2[%get3A_97, %get3A_98, %get3A_99] : memref<1x1x128xf32, #tpu.memory_space<smem>>
    %sub3A_101 = arith.subf %get3A_96, %get3A_88 : f32
    %sub3A_102 = arith.subf %get3A_100, %get3A_92 : f32
    %mul3A_103 = arith.mulf %sub3A_101, %sub3A_102 : f32
    %min3A_104 = vector.broadcast %get3A_96 : f32 to vector<112x128xf32>
    %min3A_105 = arith.minimumf %get3A_15, %min3A_104 : vector<112x128xf32>
    %max3A_106 = vector.broadcast %get3A_88 : f32 to vector<112x128xf32>
    %max3A_107 = arith.maximumf %get3A_5, %max3A_106 : vector<112x128xf32>
    %sub3A_108 = arith.subf %min3A_105, %max3A_107 : vector<112x128xf32>
    %jit3A_109 = arith.constant 0.000000e+00 : f32
    %max3A_110 = vector.broadcast %jit3A_109 : f32 to vector<112x128xf32>
    %max3A_111 = arith.maximumf %max3A_110, %sub3A_108 : vector<112x128xf32>
    %min3A_112 = vector.broadcast %get3A_100 : f32 to vector<112x128xf32>
    %min3A_113 = arith.minimumf %get3A_20, %min3A_112 : vector<112x128xf32>
    %max3A_114 = vector.broadcast %get3A_92 : f32 to vector<112x128xf32>
    %max3A_115 = arith.maximumf %get3A_10, %max3A_114 : vector<112x128xf32>
    %sub3A_116 = arith.subf %min3A_113, %max3A_115 : vector<112x128xf32>
    %jit3A_117 = arith.constant 0.000000e+00 : f32
    %max3A_118 = vector.broadcast %jit3A_117 : f32 to vector<112x128xf32>
    %max3A_119 = arith.maximumf %max3A_118, %sub3A_116 : vector<112x128xf32>
    %mul3A_120 = arith.mulf %max3A_111, %max3A_119 : vector<112x128xf32>
    %add3A_121 = vector.broadcast %mul3A_103 : f32 to vector<112x128xf32>
    %add3A_122 = arith.addf %mul3A, %add3A_121 : vector<112x128xf32>
    %sub3A_123 = arith.subf %add3A_122, %mul3A_120 : vector<112x128xf32>
    %max3A_124 = arith.constant 9.99999971E-10 : f32
    %max3A_125 = vector.broadcast %max3A_124 : f32 to vector<112x128xf32>
    %max3A_126 = arith.maximumf %sub3A_123, %max3A_125 : vector<112x128xf32>
    %div3A_127 = arith.divf %mul3A_120, %max3A_126 : vector<112x128xf32>
    %gt3A_128 = arith.cmpf ogt, %div3A_127, %select_n3A : vector<112x128xf32>
    %select_n3A_129 = arith.select %gt3A_128, %div3A_127, %select_n3A : vector<112x128xi1>, vector<112x128xf32>
    %get3A_130 = arith.constant 0 : index
    %get3A_131 = arith.constant 0 : index
    %get3A_132 = arith.constant 1 : index
    %get3A_133 = memref.load %arg3[%get3A_130, %get3A_131, %get3A_132] : memref<1x1x32xf32, #tpu.memory_space<smem>>
    %broadcast_in_dim3A_134 = vector.broadcast %get3A_133 : f32 to vector<112x128xf32>
    %select_n3A_135 = arith.select %gt3A_128, %broadcast_in_dim3A_134, %select_n3A_76 : vector<112x128xi1>, vector<112x128xf32>
    %broadcast_in_dim3A_136 = vector.broadcast %get3A_88 : f32 to vector<112x128xf32>
    %select_n3A_137 = arith.select %gt3A_128, %broadcast_in_dim3A_136, %select_n3A_78 : vector<112x128xi1>, vector<112x128xf32>
    %broadcast_in_dim3A_138 = vector.broadcast %get3A_92 : f32 to vector<112x128xf32>
    %select_n3A_139 = arith.select %gt3A_128, %broadcast_in_dim3A_138, %select_n3A_80 : vector<112x128xi1>, vector<112x128xf32>
    %broadcast_in_dim3A_140 = vector.broadcast %get3A_96 : f32 to vector<112x128xf32>
    %select_n3A_141 = arith.select %gt3A_128, %broadcast_in_dim3A_140, %select_n3A_82 : vector<112x128xi1>, vector<112x128xf32>
    %broadcast_in_dim3A_142 = vector.broadcast %get3A_100 : f32 to vector<112x128xf32>
    %select_n3A_143 = arith.select %gt3A_128, %broadcast_in_dim3A_142, %select_n3A_84 : vector<112x128xi1>, vector<112x128xf32>
    %get3A_144 = arith.constant 0 : index
    %get3A_145 = arith.constant 0 : index
    %get3A_146 = arith.constant 8 : index
    %get3A_147 = memref.load %arg2[%get3A_144, %get3A_145, %get3A_146] : memref<1x1x128xf32, #tpu.memory_space<smem>>
    %get3A_148 = arith.constant 0 : index
    %get3A_149 = arith.constant 0 : index
    %get3A_150 = arith.constant 9 : index
    %get3A_151 = memref.load %arg2[%get3A_148, %get3A_149, %get3A_150] : memref<1x1x128xf32, #tpu.memory_space<smem>>
    %get3A_152 = arith.constant 0 : index
    %get3A_153 = arith.constant 0 : index
    %get3A_154 = arith.constant 10 : index
    %get3A_155 = memref.load %arg2[%get3A_152, %get3A_153, %get3A_154] : memref<1x1x128xf32, #tpu.memory_space<smem>>
    %get3A_156 = arith.constant 0 : index
    %get3A_157 = arith.constant 0 : index
    %get3A_158 = arith.constant 11 : index
    %get3A_159 = memref.load %arg2[%get3A_156, %get3A_157, %get3A_158] : memref<1x1x128xf32, #tpu.memory_space<smem>>
    %sub3A_160 = arith.subf %get3A_155, %get3A_147 : f32
    %sub3A_161 = arith.subf %get3A_159, %get3A_151 : f32
    %mul3A_162 = arith.mulf %sub3A_160, %sub3A_161 : f32
    %min3A_163 = vector.broadcast %get3A_155 : f32 to vector<112x128xf32>
    %min3A_164 = arith.minimumf %get3A_15, %min3A_163 : vector<112x128xf32>
    %max3A_165 = vector.broadcast %get3A_147 : f32 to vector<112x128xf32>
    %max3A_166 = arith.maximumf %get3A_5, %max3A_165 : vector<112x128xf32>
    %sub3A_167 = arith.subf %min3A_164, %max3A_166 : vector<112x128xf32>
    %jit3A_168 = arith.constant 0.000000e+00 : f32
    %max3A_169 = vector.broadcast %jit3A_168 : f32 to vector<112x128xf32>
    %max3A_170 = arith.maximumf %max3A_169, %sub3A_167 : vector<112x128xf32>
    %min3A_171 = vector.broadcast %get3A_159 : f32 to vector<112x128xf32>
    %min3A_172 = arith.minimumf %get3A_20, %min3A_171 : vector<112x128xf32>
    %max3A_173 = vector.broadcast %get3A_151 : f32 to vector<112x128xf32>
    %max3A_174 = arith.maximumf %get3A_10, %max3A_173 : vector<112x128xf32>
    %sub3A_175 = arith.subf %min3A_172, %max3A_174 : vector<112x128xf32>
    %jit3A_176 = arith.constant 0.000000e+00 : f32
    %max3A_177 = vector.broadcast %jit3A_176 : f32 to vector<112x128xf32>
    %max3A_178 = arith.maximumf %max3A_177, %sub3A_175 : vector<112x128xf32>
    %mul3A_179 = arith.mulf %max3A_170, %max3A_178 : vector<112x128xf32>
    %add3A_180 = vector.broadcast %mul3A_162 : f32 to vector<112x128xf32>
    %add3A_181 = arith.addf %mul3A, %add3A_180 : vector<112x128xf32>
    %sub3A_182 = arith.subf %add3A_181, %mul3A_179 : vector<112x128xf32>
    %max3A_183 = arith.constant 9.99999971E-10 : f32
    %max3A_184 = vector.broadcast %max3A_183 : f32 to vector<112x128xf32>
    %max3A_185 = arith.maximumf %sub3A_182, %max3A_184 : vector<112x128xf32>
    %div3A_186 = arith.divf %mul3A_179, %max3A_185 : vector<112x128xf32>
    %gt3A_187 = arith.cmpf ogt, %div3A_186, %select_n3A_129 : vector<112x128xf32>
    %select_n3A_188 = arith.select %gt3A_187, %div3A_186, %select_n3A_129 : vector<112x128xi1>, vector<112x128xf32>
    %get3A_189 = arith.constant 0 : index
    %get3A_190 = arith.constant 0 : index
    %get3A_191 = arith.constant 2 : index
    %get3A_192 = memref.load %arg3[%get3A_189, %get3A_190, %get3A_191] : memref<1x1x32xf32, #tpu.memory_space<smem>>
    %broadcast_in_dim3A_193 = vector.broadcast %get3A_192 : f32 to vector<112x128xf32>
    %select_n3A_194 = arith.select %gt3A_187, %broadcast_in_dim3A_193, %select_n3A_135 : vector<112x128xi1>, vector<112x128xf32>
    %broadcast_in_dim3A_195 = vector.broadcast %get3A_147 : f32 to vector<112x128xf32>
    %select_n3A_196 = arith.select %gt3A_187, %broadcast_in_dim3A_195, %select_n3A_137 : vector<112x128xi1>, vector<112x128xf32>
    %broadcast_in_dim3A_197 = vector.broadcast %get3A_151 : f32 to vector<112x128xf32>
    %select_n3A_198 = arith.select %gt3A_187, %broadcast_in_dim3A_197, %select_n3A_139 : vector<112x128xi1>, vector<112x128xf32>
    %broadcast_in_dim3A_199 = vector.broadcast %get3A_155 : f32 to vector<112x128xf32>
    %select_n3A_200 = arith.select %gt3A_187, %broadcast_in_dim3A_199, %select_n3A_141 : vector<112x128xi1>, vector<112x128xf32>
    %broadcast_in_dim3A_201 = vector.broadcast %get3A_159 : f32 to vector<112x128xf32>
    %select_n3A_202 = arith.select %gt3A_187, %broadcast_in_dim3A_201, %select_n3A_143 : vector<112x128xi1>, vector<112x128xf32>
    %get3A_203 = arith.constant 0 : index
    %get3A_204 = arith.constant 0 : index
    %get3A_205 = arith.constant 12 : index
    %get3A_206 = memref.load %arg2[%get3A_203, %get3A_204, %get3A_205] : memref<1x1x128xf32, #tpu.memory_space<smem>>
    %get3A_207 = arith.constant 0 : index
    %get3A_208 = arith.constant 0 : index
    %get3A_209 = arith.constant 13 : index
    %get3A_210 = memref.load %arg2[%get3A_207, %get3A_208, %get3A_209] : memref<1x1x128xf32, #tpu.memory_space<smem>>
    %get3A_211 = arith.constant 0 : index
    %get3A_212 = arith.constant 0 : index
    %get3A_213 = arith.constant 14 : index
    %get3A_214 = memref.load %arg2[%get3A_211, %get3A_212, %get3A_213] : memref<1x1x128xf32, #tpu.memory_space<smem>>
    %get3A_215 = arith.constant 0 : index
    %get3A_216 = arith.constant 0 : index
    %get3A_217 = arith.constant 15 : index
    %get3A_218 = memref.load %arg2[%get3A_215, %get3A_216, %get3A_217] : memref<1x1x128xf32, #tpu.memory_space<smem>>
    %sub3A_219 = arith.subf %get3A_214, %get3A_206 : f32
    %sub3A_220 = arith.subf %get3A_218, %get3A_210 : f32
    %mul3A_221 = arith.mulf %sub3A_219, %sub3A_220 : f32
    %min3A_222 = vector.broadcast %get3A_214 : f32 to vector<112x128xf32>
    %min3A_223 = arith.minimumf %get3A_15, %min3A_222 : vector<112x128xf32>
    %max3A_224 = vector.broadcast %get3A_206 : f32 to vector<112x128xf32>
    %max3A_225 = arith.maximumf %get3A_5, %max3A_224 : vector<112x128xf32>
    %sub3A_226 = arith.subf %min3A_223, %max3A_225 : vector<112x128xf32>
    %jit3A_227 = arith.constant 0.000000e+00 : f32
    %max3A_228 = vector.broadcast %jit3A_227 : f32 to vector<112x128xf32>
    %max3A_229 = arith.maximumf %max3A_228, %sub3A_226 : vector<112x128xf32>
    %min3A_230 = vector.broadcast %get3A_218 : f32 to vector<112x128xf32>
    %min3A_231 = arith.minimumf %get3A_20, %min3A_230 : vector<112x128xf32>
    %max3A_232 = vector.broadcast %get3A_210 : f32 to vector<112x128xf32>
    %max3A_233 = arith.maximumf %get3A_10, %max3A_232 : vector<112x128xf32>
    %sub3A_234 = arith.subf %min3A_231, %max3A_233 : vector<112x128xf32>
    %jit3A_235 = arith.constant 0.000000e+00 : f32
    %max3A_236 = vector.broadcast %jit3A_235 : f32 to vector<112x128xf32>
    %max3A_237 = arith.maximumf %max3A_236, %sub3A_234 : vector<112x128xf32>
    %mul3A_238 = arith.mulf %max3A_229, %max3A_237 : vector<112x128xf32>
    %add3A_239 = vector.broadcast %mul3A_221 : f32 to vector<112x128xf32>
    %add3A_240 = arith.addf %mul3A, %add3A_239 : vector<112x128xf32>
    %sub3A_241 = arith.subf %add3A_240, %mul3A_238 : vector<112x128xf32>
    %max3A_242 = arith.constant 9.99999971E-10 : f32
    %max3A_243 = vector.broadcast %max3A_242 : f32 to vector<112x128xf32>
    %max3A_244 = arith.maximumf %sub3A_241, %max3A_243 : vector<112x128xf32>
    %div3A_245 = arith.divf %mul3A_238, %max3A_244 : vector<112x128xf32>
    %gt3A_246 = arith.cmpf ogt, %div3A_245, %select_n3A_188 : vector<112x128xf32>
    %select_n3A_247 = arith.select %gt3A_246, %div3A_245, %select_n3A_188 : vector<112x128xi1>, vector<112x128xf32>
    %get3A_248 = arith.constant 0 : index
    %get3A_249 = arith.constant 0 : index
    %get3A_250 = arith.constant 3 : index
    %get3A_251 = memref.load %arg3[%get3A_248, %get3A_249, %get3A_250] : memref<1x1x32xf32, #tpu.memory_space<smem>>
    %broadcast_in_dim3A_252 = vector.broadcast %get3A_251 : f32 to vector<112x128xf32>
    %select_n3A_253 = arith.select %gt3A_246, %broadcast_in_dim3A_252, %select_n3A_194 : vector<112x128xi1>, vector<112x128xf32>
    %broadcast_in_dim3A_254 = vector.broadcast %get3A_206 : f32 to vector<112x128xf32>
    %select_n3A_255 = arith.select %gt3A_246, %broadcast_in_dim3A_254, %select_n3A_196 : vector<112x128xi1>, vector<112x128xf32>
    %broadcast_in_dim3A_256 = vector.broadcast %get3A_210 : f32 to vector<112x128xf32>
    %select_n3A_257 = arith.select %gt3A_246, %broadcast_in_dim3A_256, %select_n3A_198 : vector<112x128xi1>, vector<112x128xf32>
    %broadcast_in_dim3A_258 = vector.broadcast %get3A_214 : f32 to vector<112x128xf32>
    %select_n3A_259 = arith.select %gt3A_246, %broadcast_in_dim3A_258, %select_n3A_200 : vector<112x128xi1>, vector<112x128xf32>
    %broadcast_in_dim3A_260 = vector.broadcast %get3A_218 : f32 to vector<112x128xf32>
    %select_n3A_261 = arith.select %gt3A_246, %broadcast_in_dim3A_260, %select_n3A_202 : vector<112x128xi1>, vector<112x128xf32>
    %get3A_262 = arith.constant 0 : index
    %get3A_263 = arith.constant 0 : index
    %get3A_264 = arith.constant 16 : index
    %get3A_265 = memref.load %arg2[%get3A_262, %get3A_263, %get3A_264] : memref<1x1x128xf32, #tpu.memory_space<smem>>
    %get3A_266 = arith.constant 0 : index
    %get3A_267 = arith.constant 0 : index
    %get3A_268 = arith.constant 17 : index
    %get3A_269 = memref.load %arg2[%get3A_266, %get3A_267, %get3A_268] : memref<1x1x128xf32, #tpu.memory_space<smem>>
    %get3A_270 = arith.constant 0 : index
    %get3A_271 = arith.constant 0 : index
    %get3A_272 = arith.constant 18 : index
    %get3A_273 = memref.load %arg2[%get3A_270, %get3A_271, %get3A_272] : memref<1x1x128xf32, #tpu.memory_space<smem>>
    %get3A_274 = arith.constant 0 : index
    %get3A_275 = arith.constant 0 : index
    %get3A_276 = arith.constant 19 : index
    %get3A_277 = memref.load %arg2[%get3A_274, %get3A_275, %get3A_276] : memref<1x1x128xf32, #tpu.memory_space<smem>>
    %sub3A_278 = arith.subf %get3A_273, %get3A_265 : f32
    %sub3A_279 = arith.subf %get3A_277, %get3A_269 : f32
    %mul3A_280 = arith.mulf %sub3A_278, %sub3A_279 : f32
    %min3A_281 = vector.broadcast %get3A_273 : f32 to vector<112x128xf32>
    %min3A_282 = arith.minimumf %get3A_15, %min3A_281 : vector<112x128xf32>
    %max3A_283 = vector.broadcast %get3A_265 : f32 to vector<112x128xf32>
    %max3A_284 = arith.maximumf %get3A_5, %max3A_283 : vector<112x128xf32>
    %sub3A_285 = arith.subf %min3A_282, %max3A_284 : vector<112x128xf32>
    %jit3A_286 = arith.constant 0.000000e+00 : f32
    %max3A_287 = vector.broadcast %jit3A_286 : f32 to vector<112x128xf32>
    %max3A_288 = arith.maximumf %max3A_287, %sub3A_285 : vector<112x128xf32>
    %min3A_289 = vector.broadcast %get3A_277 : f32 to vector<112x128xf32>
    %min3A_290 = arith.minimumf %get3A_20, %min3A_289 : vector<112x128xf32>
    %max3A_291 = vector.broadcast %get3A_269 : f32 to vector<112x128xf32>
    %max3A_292 = arith.maximumf %get3A_10, %max3A_291 : vector<112x128xf32>
    %sub3A_293 = arith.subf %min3A_290, %max3A_292 : vector<112x128xf32>
    %jit3A_294 = arith.constant 0.000000e+00 : f32
    %max3A_295 = vector.broadcast %jit3A_294 : f32 to vector<112x128xf32>
    %max3A_296 = arith.maximumf %max3A_295, %sub3A_293 : vector<112x128xf32>
    %mul3A_297 = arith.mulf %max3A_288, %max3A_296 : vector<112x128xf32>
    %add3A_298 = vector.broadcast %mul3A_280 : f32 to vector<112x128xf32>
    %add3A_299 = arith.addf %mul3A, %add3A_298 : vector<112x128xf32>
    %sub3A_300 = arith.subf %add3A_299, %mul3A_297 : vector<112x128xf32>
    %max3A_301 = arith.constant 9.99999971E-10 : f32
    %max3A_302 = vector.broadcast %max3A_301 : f32 to vector<112x128xf32>
    %max3A_303 = arith.maximumf %sub3A_300, %max3A_302 : vector<112x128xf32>
    %div3A_304 = arith.divf %mul3A_297, %max3A_303 : vector<112x128xf32>
    %gt3A_305 = arith.cmpf ogt, %div3A_304, %select_n3A_247 : vector<112x128xf32>
    %select_n3A_306 = arith.select %gt3A_305, %div3A_304, %select_n3A_247 : vector<112x128xi1>, vector<112x128xf32>
    %get3A_307 = arith.constant 0 : index
    %get3A_308 = arith.constant 0 : index
    %get3A_309 = arith.constant 4 : index
    %get3A_310 = memref.load %arg3[%get3A_307, %get3A_308, %get3A_309] : memref<1x1x32xf32, #tpu.memory_space<smem>>
    %broadcast_in_dim3A_311 = vector.broadcast %get3A_310 : f32 to vector<112x128xf32>
    %select_n3A_312 = arith.select %gt3A_305, %broadcast_in_dim3A_311, %select_n3A_253 : vector<112x128xi1>, vector<112x128xf32>
    %broadcast_in_dim3A_313 = vector.broadcast %get3A_265 : f32 to vector<112x128xf32>
    %select_n3A_314 = arith.select %gt3A_305, %broadcast_in_dim3A_313, %select_n3A_255 : vector<112x128xi1>, vector<112x128xf32>
    %broadcast_in_dim3A_315 = vector.broadcast %get3A_269 : f32 to vector<112x128xf32>
    %select_n3A_316 = arith.select %gt3A_305, %broadcast_in_dim3A_315, %select_n3A_257 : vector<112x128xi1>, vector<112x128xf32>
    %broadcast_in_dim3A_317 = vector.broadcast %get3A_273 : f32 to vector<112x128xf32>
    %select_n3A_318 = arith.select %gt3A_305, %broadcast_in_dim3A_317, %select_n3A_259 : vector<112x128xi1>, vector<112x128xf32>
    %broadcast_in_dim3A_319 = vector.broadcast %get3A_277 : f32 to vector<112x128xf32>
    %select_n3A_320 = arith.select %gt3A_305, %broadcast_in_dim3A_319, %select_n3A_261 : vector<112x128xi1>, vector<112x128xf32>
    %get3A_321 = arith.constant 0 : index
    %get3A_322 = arith.constant 0 : index
    %get3A_323 = arith.constant 20 : index
    %get3A_324 = memref.load %arg2[%get3A_321, %get3A_322, %get3A_323] : memref<1x1x128xf32, #tpu.memory_space<smem>>
    %get3A_325 = arith.constant 0 : index
    %get3A_326 = arith.constant 0 : index
    %get3A_327 = arith.constant 21 : index
    %get3A_328 = memref.load %arg2[%get3A_325, %get3A_326, %get3A_327] : memref<1x1x128xf32, #tpu.memory_space<smem>>
    %get3A_329 = arith.constant 0 : index
    %get3A_330 = arith.constant 0 : index
    %get3A_331 = arith.constant 22 : index
    %get3A_332 = memref.load %arg2[%get3A_329, %get3A_330, %get3A_331] : memref<1x1x128xf32, #tpu.memory_space<smem>>
    %get3A_333 = arith.constant 0 : index
    %get3A_334 = arith.constant 0 : index
    %get3A_335 = arith.constant 23 : index
    %get3A_336 = memref.load %arg2[%get3A_333, %get3A_334, %get3A_335] : memref<1x1x128xf32, #tpu.memory_space<smem>>
    %sub3A_337 = arith.subf %get3A_332, %get3A_324 : f32
    %sub3A_338 = arith.subf %get3A_336, %get3A_328 : f32
    %mul3A_339 = arith.mulf %sub3A_337, %sub3A_338 : f32
    %min3A_340 = vector.broadcast %get3A_332 : f32 to vector<112x128xf32>
    %min3A_341 = arith.minimumf %get3A_15, %min3A_340 : vector<112x128xf32>
    %max3A_342 = vector.broadcast %get3A_324 : f32 to vector<112x128xf32>
    %max3A_343 = arith.maximumf %get3A_5, %max3A_342 : vector<112x128xf32>
    %sub3A_344 = arith.subf %min3A_341, %max3A_343 : vector<112x128xf32>
    %jit3A_345 = arith.constant 0.000000e+00 : f32
    %max3A_346 = vector.broadcast %jit3A_345 : f32 to vector<112x128xf32>
    %max3A_347 = arith.maximumf %max3A_346, %sub3A_344 : vector<112x128xf32>
    %min3A_348 = vector.broadcast %get3A_336 : f32 to vector<112x128xf32>
    %min3A_349 = arith.minimumf %get3A_20, %min3A_348 : vector<112x128xf32>
    %max3A_350 = vector.broadcast %get3A_328 : f32 to vector<112x128xf32>
    %max3A_351 = arith.maximumf %get3A_10, %max3A_350 : vector<112x128xf32>
    %sub3A_352 = arith.subf %min3A_349, %max3A_351 : vector<112x128xf32>
    %jit3A_353 = arith.constant 0.000000e+00 : f32
    %max3A_354 = vector.broadcast %jit3A_353 : f32 to vector<112x128xf32>
    %max3A_355 = arith.maximumf %max3A_354, %sub3A_352 : vector<112x128xf32>
    %mul3A_356 = arith.mulf %max3A_347, %max3A_355 : vector<112x128xf32>
    %add3A_357 = vector.broadcast %mul3A_339 : f32 to vector<112x128xf32>
    %add3A_358 = arith.addf %mul3A, %add3A_357 : vector<112x128xf32>
    %sub3A_359 = arith.subf %add3A_358, %mul3A_356 : vector<112x128xf32>
    %max3A_360 = arith.constant 9.99999971E-10 : f32
    %max3A_361 = vector.broadcast %max3A_360 : f32 to vector<112x128xf32>
    %max3A_362 = arith.maximumf %sub3A_359, %max3A_361 : vector<112x128xf32>
    %div3A_363 = arith.divf %mul3A_356, %max3A_362 : vector<112x128xf32>
    %gt3A_364 = arith.cmpf ogt, %div3A_363, %select_n3A_306 : vector<112x128xf32>
    %select_n3A_365 = arith.select %gt3A_364, %div3A_363, %select_n3A_306 : vector<112x128xi1>, vector<112x128xf32>
    %get3A_366 = arith.constant 0 : index
    %get3A_367 = arith.constant 0 : index
    %get3A_368 = arith.constant 5 : index
    %get3A_369 = memref.load %arg3[%get3A_366, %get3A_367, %get3A_368] : memref<1x1x32xf32, #tpu.memory_space<smem>>
    %broadcast_in_dim3A_370 = vector.broadcast %get3A_369 : f32 to vector<112x128xf32>
    %select_n3A_371 = arith.select %gt3A_364, %broadcast_in_dim3A_370, %select_n3A_312 : vector<112x128xi1>, vector<112x128xf32>
    %broadcast_in_dim3A_372 = vector.broadcast %get3A_324 : f32 to vector<112x128xf32>
    %select_n3A_373 = arith.select %gt3A_364, %broadcast_in_dim3A_372, %select_n3A_314 : vector<112x128xi1>, vector<112x128xf32>
    %broadcast_in_dim3A_374 = vector.broadcast %get3A_328 : f32 to vector<112x128xf32>
    %select_n3A_375 = arith.select %gt3A_364, %broadcast_in_dim3A_374, %select_n3A_316 : vector<112x128xi1>, vector<112x128xf32>
    %broadcast_in_dim3A_376 = vector.broadcast %get3A_332 : f32 to vector<112x128xf32>
    %select_n3A_377 = arith.select %gt3A_364, %broadcast_in_dim3A_376, %select_n3A_318 : vector<112x128xi1>, vector<112x128xf32>
    %broadcast_in_dim3A_378 = vector.broadcast %get3A_336 : f32 to vector<112x128xf32>
    %select_n3A_379 = arith.select %gt3A_364, %broadcast_in_dim3A_378, %select_n3A_320 : vector<112x128xi1>, vector<112x128xf32>
    %get3A_380 = arith.constant 0 : index
    %get3A_381 = arith.constant 0 : index
    %get3A_382 = arith.constant 24 : index
    %get3A_383 = memref.load %arg2[%get3A_380, %get3A_381, %get3A_382] : memref<1x1x128xf32, #tpu.memory_space<smem>>
    %get3A_384 = arith.constant 0 : index
    %get3A_385 = arith.constant 0 : index
    %get3A_386 = arith.constant 25 : index
    %get3A_387 = memref.load %arg2[%get3A_384, %get3A_385, %get3A_386] : memref<1x1x128xf32, #tpu.memory_space<smem>>
    %get3A_388 = arith.constant 0 : index
    %get3A_389 = arith.constant 0 : index
    %get3A_390 = arith.constant 26 : index
    %get3A_391 = memref.load %arg2[%get3A_388, %get3A_389, %get3A_390] : memref<1x1x128xf32, #tpu.memory_space<smem>>
    %get3A_392 = arith.constant 0 : index
    %get3A_393 = arith.constant 0 : index
    %get3A_394 = arith.constant 27 : index
    %get3A_395 = memref.load %arg2[%get3A_392, %get3A_393, %get3A_394] : memref<1x1x128xf32, #tpu.memory_space<smem>>
    %sub3A_396 = arith.subf %get3A_391, %get3A_383 : f32
    %sub3A_397 = arith.subf %get3A_395, %get3A_387 : f32
    %mul3A_398 = arith.mulf %sub3A_396, %sub3A_397 : f32
    %min3A_399 = vector.broadcast %get3A_391 : f32 to vector<112x128xf32>
    %min3A_400 = arith.minimumf %get3A_15, %min3A_399 : vector<112x128xf32>
    %max3A_401 = vector.broadcast %get3A_383 : f32 to vector<112x128xf32>
    %max3A_402 = arith.maximumf %get3A_5, %max3A_401 : vector<112x128xf32>
    %sub3A_403 = arith.subf %min3A_400, %max3A_402 : vector<112x128xf32>
    %jit3A_404 = arith.constant 0.000000e+00 : f32
    %max3A_405 = vector.broadcast %jit3A_404 : f32 to vector<112x128xf32>
    %max3A_406 = arith.maximumf %max3A_405, %sub3A_403 : vector<112x128xf32>
    %min3A_407 = vector.broadcast %get3A_395 : f32 to vector<112x128xf32>
    %min3A_408 = arith.minimumf %get3A_20, %min3A_407 : vector<112x128xf32>
    %max3A_409 = vector.broadcast %get3A_387 : f32 to vector<112x128xf32>
    %max3A_410 = arith.maximumf %get3A_10, %max3A_409 : vector<112x128xf32>
    %sub3A_411 = arith.subf %min3A_408, %max3A_410 : vector<112x128xf32>
    %jit3A_412 = arith.constant 0.000000e+00 : f32
    %max3A_413 = vector.broadcast %jit3A_412 : f32 to vector<112x128xf32>
    %max3A_414 = arith.maximumf %max3A_413, %sub3A_411 : vector<112x128xf32>
    %mul3A_415 = arith.mulf %max3A_406, %max3A_414 : vector<112x128xf32>
    %add3A_416 = vector.broadcast %mul3A_398 : f32 to vector<112x128xf32>
    %add3A_417 = arith.addf %mul3A, %add3A_416 : vector<112x128xf32>
    %sub3A_418 = arith.subf %add3A_417, %mul3A_415 : vector<112x128xf32>
    %max3A_419 = arith.constant 9.99999971E-10 : f32
    %max3A_420 = vector.broadcast %max3A_419 : f32 to vector<112x128xf32>
    %max3A_421 = arith.maximumf %sub3A_418, %max3A_420 : vector<112x128xf32>
    %div3A_422 = arith.divf %mul3A_415, %max3A_421 : vector<112x128xf32>
    %gt3A_423 = arith.cmpf ogt, %div3A_422, %select_n3A_365 : vector<112x128xf32>
    %select_n3A_424 = arith.select %gt3A_423, %div3A_422, %select_n3A_365 : vector<112x128xi1>, vector<112x128xf32>
    %get3A_425 = arith.constant 0 : index
    %get3A_426 = arith.constant 0 : index
    %get3A_427 = arith.constant 6 : index
    %get3A_428 = memref.load %arg3[%get3A_425, %get3A_426, %get3A_427] : memref<1x1x32xf32, #tpu.memory_space<smem>>
    %broadcast_in_dim3A_429 = vector.broadcast %get3A_428 : f32 to vector<112x128xf32>
    %select_n3A_430 = arith.select %gt3A_423, %broadcast_in_dim3A_429, %select_n3A_371 : vector<112x128xi1>, vector<112x128xf32>
    %broadcast_in_dim3A_431 = vector.broadcast %get3A_383 : f32 to vector<112x128xf32>
    %select_n3A_432 = arith.select %gt3A_423, %broadcast_in_dim3A_431, %select_n3A_373 : vector<112x128xi1>, vector<112x128xf32>
    %broadcast_in_dim3A_433 = vector.broadcast %get3A_387 : f32 to vector<112x128xf32>
    %select_n3A_434 = arith.select %gt3A_423, %broadcast_in_dim3A_433, %select_n3A_375 : vector<112x128xi1>, vector<112x128xf32>
    %broadcast_in_dim3A_435 = vector.broadcast %get3A_391 : f32 to vector<112x128xf32>
    %select_n3A_436 = arith.select %gt3A_423, %broadcast_in_dim3A_435, %select_n3A_377 : vector<112x128xi1>, vector<112x128xf32>
    %broadcast_in_dim3A_437 = vector.broadcast %get3A_395 : f32 to vector<112x128xf32>
    %select_n3A_438 = arith.select %gt3A_423, %broadcast_in_dim3A_437, %select_n3A_379 : vector<112x128xi1>, vector<112x128xf32>
    %get3A_439 = arith.constant 0 : index
    %get3A_440 = arith.constant 0 : index
    %get3A_441 = arith.constant 28 : index
    %get3A_442 = memref.load %arg2[%get3A_439, %get3A_440, %get3A_441] : memref<1x1x128xf32, #tpu.memory_space<smem>>
    %get3A_443 = arith.constant 0 : index
    %get3A_444 = arith.constant 0 : index
    %get3A_445 = arith.constant 29 : index
    %get3A_446 = memref.load %arg2[%get3A_443, %get3A_444, %get3A_445] : memref<1x1x128xf32, #tpu.memory_space<smem>>
    %get3A_447 = arith.constant 0 : index
    %get3A_448 = arith.constant 0 : index
    %get3A_449 = arith.constant 30 : index
    %get3A_450 = memref.load %arg2[%get3A_447, %get3A_448, %get3A_449] : memref<1x1x128xf32, #tpu.memory_space<smem>>
    %get3A_451 = arith.constant 0 : index
    %get3A_452 = arith.constant 0 : index
    %get3A_453 = arith.constant 31 : index
    %get3A_454 = memref.load %arg2[%get3A_451, %get3A_452, %get3A_453] : memref<1x1x128xf32, #tpu.memory_space<smem>>
    %sub3A_455 = arith.subf %get3A_450, %get3A_442 : f32
    %sub3A_456 = arith.subf %get3A_454, %get3A_446 : f32
    %mul3A_457 = arith.mulf %sub3A_455, %sub3A_456 : f32
    %min3A_458 = vector.broadcast %get3A_450 : f32 to vector<112x128xf32>
    %min3A_459 = arith.minimumf %get3A_15, %min3A_458 : vector<112x128xf32>
    %max3A_460 = vector.broadcast %get3A_442 : f32 to vector<112x128xf32>
    %max3A_461 = arith.maximumf %get3A_5, %max3A_460 : vector<112x128xf32>
    %sub3A_462 = arith.subf %min3A_459, %max3A_461 : vector<112x128xf32>
    %jit3A_463 = arith.constant 0.000000e+00 : f32
    %max3A_464 = vector.broadcast %jit3A_463 : f32 to vector<112x128xf32>
    %max3A_465 = arith.maximumf %max3A_464, %sub3A_462 : vector<112x128xf32>
    %min3A_466 = vector.broadcast %get3A_454 : f32 to vector<112x128xf32>
    %min3A_467 = arith.minimumf %get3A_20, %min3A_466 : vector<112x128xf32>
    %max3A_468 = vector.broadcast %get3A_446 : f32 to vector<112x128xf32>
    %max3A_469 = arith.maximumf %get3A_10, %max3A_468 : vector<112x128xf32>
    %sub3A_470 = arith.subf %min3A_467, %max3A_469 : vector<112x128xf32>
    %jit3A_471 = arith.constant 0.000000e+00 : f32
    %max3A_472 = vector.broadcast %jit3A_471 : f32 to vector<112x128xf32>
    %max3A_473 = arith.maximumf %max3A_472, %sub3A_470 : vector<112x128xf32>
    %mul3A_474 = arith.mulf %max3A_465, %max3A_473 : vector<112x128xf32>
    %add3A_475 = vector.broadcast %mul3A_457 : f32 to vector<112x128xf32>
    %add3A_476 = arith.addf %mul3A, %add3A_475 : vector<112x128xf32>
    %sub3A_477 = arith.subf %add3A_476, %mul3A_474 : vector<112x128xf32>
    %max3A_478 = arith.constant 9.99999971E-10 : f32
    %max3A_479 = vector.broadcast %max3A_478 : f32 to vector<112x128xf32>
    %max3A_480 = arith.maximumf %sub3A_477, %max3A_479 : vector<112x128xf32>
    %div3A_481 = arith.divf %mul3A_474, %max3A_480 : vector<112x128xf32>
    %gt3A_482 = arith.cmpf ogt, %div3A_481, %select_n3A_424 : vector<112x128xf32>
    %select_n3A_483 = arith.select %gt3A_482, %div3A_481, %select_n3A_424 : vector<112x128xi1>, vector<112x128xf32>
    %get3A_484 = arith.constant 0 : index
    %get3A_485 = arith.constant 0 : index
    %get3A_486 = arith.constant 7 : index
    %get3A_487 = memref.load %arg3[%get3A_484, %get3A_485, %get3A_486] : memref<1x1x32xf32, #tpu.memory_space<smem>>
    %broadcast_in_dim3A_488 = vector.broadcast %get3A_487 : f32 to vector<112x128xf32>
    %select_n3A_489 = arith.select %gt3A_482, %broadcast_in_dim3A_488, %select_n3A_430 : vector<112x128xi1>, vector<112x128xf32>
    %broadcast_in_dim3A_490 = vector.broadcast %get3A_442 : f32 to vector<112x128xf32>
    %select_n3A_491 = arith.select %gt3A_482, %broadcast_in_dim3A_490, %select_n3A_432 : vector<112x128xi1>, vector<112x128xf32>
    %broadcast_in_dim3A_492 = vector.broadcast %get3A_446 : f32 to vector<112x128xf32>
    %select_n3A_493 = arith.select %gt3A_482, %broadcast_in_dim3A_492, %select_n3A_434 : vector<112x128xi1>, vector<112x128xf32>
    %broadcast_in_dim3A_494 = vector.broadcast %get3A_450 : f32 to vector<112x128xf32>
    %select_n3A_495 = arith.select %gt3A_482, %broadcast_in_dim3A_494, %select_n3A_436 : vector<112x128xi1>, vector<112x128xf32>
    %broadcast_in_dim3A_496 = vector.broadcast %get3A_454 : f32 to vector<112x128xf32>
    %select_n3A_497 = arith.select %gt3A_482, %broadcast_in_dim3A_496, %select_n3A_438 : vector<112x128xi1>, vector<112x128xf32>
    %get3A_498 = arith.constant 0 : index
    %get3A_499 = arith.constant 0 : index
    %get3A_500 = arith.constant 32 : index
    %get3A_501 = memref.load %arg2[%get3A_498, %get3A_499, %get3A_500] : memref<1x1x128xf32, #tpu.memory_space<smem>>
    %get3A_502 = arith.constant 0 : index
    %get3A_503 = arith.constant 0 : index
    %get3A_504 = arith.constant 33 : index
    %get3A_505 = memref.load %arg2[%get3A_502, %get3A_503, %get3A_504] : memref<1x1x128xf32, #tpu.memory_space<smem>>
    %get3A_506 = arith.constant 0 : index
    %get3A_507 = arith.constant 0 : index
    %get3A_508 = arith.constant 34 : index
    %get3A_509 = memref.load %arg2[%get3A_506, %get3A_507, %get3A_508] : memref<1x1x128xf32, #tpu.memory_space<smem>>
    %get3A_510 = arith.constant 0 : index
    %get3A_511 = arith.constant 0 : index
    %get3A_512 = arith.constant 35 : index
    %get3A_513 = memref.load %arg2[%get3A_510, %get3A_511, %get3A_512] : memref<1x1x128xf32, #tpu.memory_space<smem>>
    %sub3A_514 = arith.subf %get3A_509, %get3A_501 : f32
    %sub3A_515 = arith.subf %get3A_513, %get3A_505 : f32
    %mul3A_516 = arith.mulf %sub3A_514, %sub3A_515 : f32
    %min3A_517 = vector.broadcast %get3A_509 : f32 to vector<112x128xf32>
    %min3A_518 = arith.minimumf %get3A_15, %min3A_517 : vector<112x128xf32>
    %max3A_519 = vector.broadcast %get3A_501 : f32 to vector<112x128xf32>
    %max3A_520 = arith.maximumf %get3A_5, %max3A_519 : vector<112x128xf32>
    %sub3A_521 = arith.subf %min3A_518, %max3A_520 : vector<112x128xf32>
    %jit3A_522 = arith.constant 0.000000e+00 : f32
    %max3A_523 = vector.broadcast %jit3A_522 : f32 to vector<112x128xf32>
    %max3A_524 = arith.maximumf %max3A_523, %sub3A_521 : vector<112x128xf32>
    %min3A_525 = vector.broadcast %get3A_513 : f32 to vector<112x128xf32>
    %min3A_526 = arith.minimumf %get3A_20, %min3A_525 : vector<112x128xf32>
    %max3A_527 = vector.broadcast %get3A_505 : f32 to vector<112x128xf32>
    %max3A_528 = arith.maximumf %get3A_10, %max3A_527 : vector<112x128xf32>
    %sub3A_529 = arith.subf %min3A_526, %max3A_528 : vector<112x128xf32>
    %jit3A_530 = arith.constant 0.000000e+00 : f32
    %max3A_531 = vector.broadcast %jit3A_530 : f32 to vector<112x128xf32>
    %max3A_532 = arith.maximumf %max3A_531, %sub3A_529 : vector<112x128xf32>
    %mul3A_533 = arith.mulf %max3A_524, %max3A_532 : vector<112x128xf32>
    %add3A_534 = vector.broadcast %mul3A_516 : f32 to vector<112x128xf32>
    %add3A_535 = arith.addf %mul3A, %add3A_534 : vector<112x128xf32>
    %sub3A_536 = arith.subf %add3A_535, %mul3A_533 : vector<112x128xf32>
    %max3A_537 = arith.constant 9.99999971E-10 : f32
    %max3A_538 = vector.broadcast %max3A_537 : f32 to vector<112x128xf32>
    %max3A_539 = arith.maximumf %sub3A_536, %max3A_538 : vector<112x128xf32>
    %div3A_540 = arith.divf %mul3A_533, %max3A_539 : vector<112x128xf32>
    %gt3A_541 = arith.cmpf ogt, %div3A_540, %select_n3A_483 : vector<112x128xf32>
    %select_n3A_542 = arith.select %gt3A_541, %div3A_540, %select_n3A_483 : vector<112x128xi1>, vector<112x128xf32>
    %get3A_543 = arith.constant 0 : index
    %get3A_544 = arith.constant 0 : index
    %get3A_545 = arith.constant 8 : index
    %get3A_546 = memref.load %arg3[%get3A_543, %get3A_544, %get3A_545] : memref<1x1x32xf32, #tpu.memory_space<smem>>
    %broadcast_in_dim3A_547 = vector.broadcast %get3A_546 : f32 to vector<112x128xf32>
    %select_n3A_548 = arith.select %gt3A_541, %broadcast_in_dim3A_547, %select_n3A_489 : vector<112x128xi1>, vector<112x128xf32>
    %broadcast_in_dim3A_549 = vector.broadcast %get3A_501 : f32 to vector<112x128xf32>
    %select_n3A_550 = arith.select %gt3A_541, %broadcast_in_dim3A_549, %select_n3A_491 : vector<112x128xi1>, vector<112x128xf32>
    %broadcast_in_dim3A_551 = vector.broadcast %get3A_505 : f32 to vector<112x128xf32>
    %select_n3A_552 = arith.select %gt3A_541, %broadcast_in_dim3A_551, %select_n3A_493 : vector<112x128xi1>, vector<112x128xf32>
    %broadcast_in_dim3A_553 = vector.broadcast %get3A_509 : f32 to vector<112x128xf32>
    %select_n3A_554 = arith.select %gt3A_541, %broadcast_in_dim3A_553, %select_n3A_495 : vector<112x128xi1>, vector<112x128xf32>
    %broadcast_in_dim3A_555 = vector.broadcast %get3A_513 : f32 to vector<112x128xf32>
    %select_n3A_556 = arith.select %gt3A_541, %broadcast_in_dim3A_555, %select_n3A_497 : vector<112x128xi1>, vector<112x128xf32>
    %get3A_557 = arith.constant 0 : index
    %get3A_558 = arith.constant 0 : index
    %get3A_559 = arith.constant 36 : index
    %get3A_560 = memref.load %arg2[%get3A_557, %get3A_558, %get3A_559] : memref<1x1x128xf32, #tpu.memory_space<smem>>
    %get3A_561 = arith.constant 0 : index
    %get3A_562 = arith.constant 0 : index
    %get3A_563 = arith.constant 37 : index
    %get3A_564 = memref.load %arg2[%get3A_561, %get3A_562, %get3A_563] : memref<1x1x128xf32, #tpu.memory_space<smem>>
    %get3A_565 = arith.constant 0 : index
    %get3A_566 = arith.constant 0 : index
    %get3A_567 = arith.constant 38 : index
    %get3A_568 = memref.load %arg2[%get3A_565, %get3A_566, %get3A_567] : memref<1x1x128xf32, #tpu.memory_space<smem>>
    %get3A_569 = arith.constant 0 : index
    %get3A_570 = arith.constant 0 : index
    %get3A_571 = arith.constant 39 : index
    %get3A_572 = memref.load %arg2[%get3A_569, %get3A_570, %get3A_571] : memref<1x1x128xf32, #tpu.memory_space<smem>>
    %sub3A_573 = arith.subf %get3A_568, %get3A_560 : f32
    %sub3A_574 = arith.subf %get3A_572, %get3A_564 : f32
    %mul3A_575 = arith.mulf %sub3A_573, %sub3A_574 : f32
    %min3A_576 = vector.broadcast %get3A_568 : f32 to vector<112x128xf32>
    %min3A_577 = arith.minimumf %get3A_15, %min3A_576 : vector<112x128xf32>
    %max3A_578 = vector.broadcast %get3A_560 : f32 to vector<112x128xf32>
    %max3A_579 = arith.maximumf %get3A_5, %max3A_578 : vector<112x128xf32>
    %sub3A_580 = arith.subf %min3A_577, %max3A_579 : vector<112x128xf32>
    %jit3A_581 = arith.constant 0.000000e+00 : f32
    %max3A_582 = vector.broadcast %jit3A_581 : f32 to vector<112x128xf32>
    %max3A_583 = arith.maximumf %max3A_582, %sub3A_580 : vector<112x128xf32>
    %min3A_584 = vector.broadcast %get3A_572 : f32 to vector<112x128xf32>
    %min3A_585 = arith.minimumf %get3A_20, %min3A_584 : vector<112x128xf32>
    %max3A_586 = vector.broadcast %get3A_564 : f32 to vector<112x128xf32>
    %max3A_587 = arith.maximumf %get3A_10, %max3A_586 : vector<112x128xf32>
    %sub3A_588 = arith.subf %min3A_585, %max3A_587 : vector<112x128xf32>
    %jit3A_589 = arith.constant 0.000000e+00 : f32
    %max3A_590 = vector.broadcast %jit3A_589 : f32 to vector<112x128xf32>
    %max3A_591 = arith.maximumf %max3A_590, %sub3A_588 : vector<112x128xf32>
    %mul3A_592 = arith.mulf %max3A_583, %max3A_591 : vector<112x128xf32>
    %add3A_593 = vector.broadcast %mul3A_575 : f32 to vector<112x128xf32>
    %add3A_594 = arith.addf %mul3A, %add3A_593 : vector<112x128xf32>
    %sub3A_595 = arith.subf %add3A_594, %mul3A_592 : vector<112x128xf32>
    %max3A_596 = arith.constant 9.99999971E-10 : f32
    %max3A_597 = vector.broadcast %max3A_596 : f32 to vector<112x128xf32>
    %max3A_598 = arith.maximumf %sub3A_595, %max3A_597 : vector<112x128xf32>
    %div3A_599 = arith.divf %mul3A_592, %max3A_598 : vector<112x128xf32>
    %gt3A_600 = arith.cmpf ogt, %div3A_599, %select_n3A_542 : vector<112x128xf32>
    %select_n3A_601 = arith.select %gt3A_600, %div3A_599, %select_n3A_542 : vector<112x128xi1>, vector<112x128xf32>
    %get3A_602 = arith.constant 0 : index
    %get3A_603 = arith.constant 0 : index
    %get3A_604 = arith.constant 9 : index
    %get3A_605 = memref.load %arg3[%get3A_602, %get3A_603, %get3A_604] : memref<1x1x32xf32, #tpu.memory_space<smem>>
    %broadcast_in_dim3A_606 = vector.broadcast %get3A_605 : f32 to vector<112x128xf32>
    %select_n3A_607 = arith.select %gt3A_600, %broadcast_in_dim3A_606, %select_n3A_548 : vector<112x128xi1>, vector<112x128xf32>
    %broadcast_in_dim3A_608 = vector.broadcast %get3A_560 : f32 to vector<112x128xf32>
    %select_n3A_609 = arith.select %gt3A_600, %broadcast_in_dim3A_608, %select_n3A_550 : vector<112x128xi1>, vector<112x128xf32>
    %broadcast_in_dim3A_610 = vector.broadcast %get3A_564 : f32 to vector<112x128xf32>
    %select_n3A_611 = arith.select %gt3A_600, %broadcast_in_dim3A_610, %select_n3A_552 : vector<112x128xi1>, vector<112x128xf32>
    %broadcast_in_dim3A_612 = vector.broadcast %get3A_568 : f32 to vector<112x128xf32>
    %select_n3A_613 = arith.select %gt3A_600, %broadcast_in_dim3A_612, %select_n3A_554 : vector<112x128xi1>, vector<112x128xf32>
    %broadcast_in_dim3A_614 = vector.broadcast %get3A_572 : f32 to vector<112x128xf32>
    %select_n3A_615 = arith.select %gt3A_600, %broadcast_in_dim3A_614, %select_n3A_556 : vector<112x128xi1>, vector<112x128xf32>
    %get3A_616 = arith.constant 0 : index
    %get3A_617 = arith.constant 0 : index
    %get3A_618 = arith.constant 40 : index
    %get3A_619 = memref.load %arg2[%get3A_616, %get3A_617, %get3A_618] : memref<1x1x128xf32, #tpu.memory_space<smem>>
    %get3A_620 = arith.constant 0 : index
    %get3A_621 = arith.constant 0 : index
    %get3A_622 = arith.constant 41 : index
    %get3A_623 = memref.load %arg2[%get3A_620, %get3A_621, %get3A_622] : memref<1x1x128xf32, #tpu.memory_space<smem>>
    %get3A_624 = arith.constant 0 : index
    %get3A_625 = arith.constant 0 : index
    %get3A_626 = arith.constant 42 : index
    %get3A_627 = memref.load %arg2[%get3A_624, %get3A_625, %get3A_626] : memref<1x1x128xf32, #tpu.memory_space<smem>>
    %get3A_628 = arith.constant 0 : index
    %get3A_629 = arith.constant 0 : index
    %get3A_630 = arith.constant 43 : index
    %get3A_631 = memref.load %arg2[%get3A_628, %get3A_629, %get3A_630] : memref<1x1x128xf32, #tpu.memory_space<smem>>
    %sub3A_632 = arith.subf %get3A_627, %get3A_619 : f32
    %sub3A_633 = arith.subf %get3A_631, %get3A_623 : f32
    %mul3A_634 = arith.mulf %sub3A_632, %sub3A_633 : f32
    %min3A_635 = vector.broadcast %get3A_627 : f32 to vector<112x128xf32>
    %min3A_636 = arith.minimumf %get3A_15, %min3A_635 : vector<112x128xf32>
    %max3A_637 = vector.broadcast %get3A_619 : f32 to vector<112x128xf32>
    %max3A_638 = arith.maximumf %get3A_5, %max3A_637 : vector<112x128xf32>
    %sub3A_639 = arith.subf %min3A_636, %max3A_638 : vector<112x128xf32>
    %jit3A_640 = arith.constant 0.000000e+00 : f32
    %max3A_641 = vector.broadcast %jit3A_640 : f32 to vector<112x128xf32>
    %max3A_642 = arith.maximumf %max3A_641, %sub3A_639 : vector<112x128xf32>
    %min3A_643 = vector.broadcast %get3A_631 : f32 to vector<112x128xf32>
    %min3A_644 = arith.minimumf %get3A_20, %min3A_643 : vector<112x128xf32>
    %max3A_645 = vector.broadcast %get3A_623 : f32 to vector<112x128xf32>
    %max3A_646 = arith.maximumf %get3A_10, %max3A_645 : vector<112x128xf32>
    %sub3A_647 = arith.subf %min3A_644, %max3A_646 : vector<112x128xf32>
    %jit3A_648 = arith.constant 0.000000e+00 : f32
    %max3A_649 = vector.broadcast %jit3A_648 : f32 to vector<112x128xf32>
    %max3A_650 = arith.maximumf %max3A_649, %sub3A_647 : vector<112x128xf32>
    %mul3A_651 = arith.mulf %max3A_642, %max3A_650 : vector<112x128xf32>
    %add3A_652 = vector.broadcast %mul3A_634 : f32 to vector<112x128xf32>
    %add3A_653 = arith.addf %mul3A, %add3A_652 : vector<112x128xf32>
    %sub3A_654 = arith.subf %add3A_653, %mul3A_651 : vector<112x128xf32>
    %max3A_655 = arith.constant 9.99999971E-10 : f32
    %max3A_656 = vector.broadcast %max3A_655 : f32 to vector<112x128xf32>
    %max3A_657 = arith.maximumf %sub3A_654, %max3A_656 : vector<112x128xf32>
    %div3A_658 = arith.divf %mul3A_651, %max3A_657 : vector<112x128xf32>
    %gt3A_659 = arith.cmpf ogt, %div3A_658, %select_n3A_601 : vector<112x128xf32>
    %select_n3A_660 = arith.select %gt3A_659, %div3A_658, %select_n3A_601 : vector<112x128xi1>, vector<112x128xf32>
    %get3A_661 = arith.constant 0 : index
    %get3A_662 = arith.constant 0 : index
    %get3A_663 = arith.constant 10 : index
    %get3A_664 = memref.load %arg3[%get3A_661, %get3A_662, %get3A_663] : memref<1x1x32xf32, #tpu.memory_space<smem>>
    %broadcast_in_dim3A_665 = vector.broadcast %get3A_664 : f32 to vector<112x128xf32>
    %select_n3A_666 = arith.select %gt3A_659, %broadcast_in_dim3A_665, %select_n3A_607 : vector<112x128xi1>, vector<112x128xf32>
    %broadcast_in_dim3A_667 = vector.broadcast %get3A_619 : f32 to vector<112x128xf32>
    %select_n3A_668 = arith.select %gt3A_659, %broadcast_in_dim3A_667, %select_n3A_609 : vector<112x128xi1>, vector<112x128xf32>
    %broadcast_in_dim3A_669 = vector.broadcast %get3A_623 : f32 to vector<112x128xf32>
    %select_n3A_670 = arith.select %gt3A_659, %broadcast_in_dim3A_669, %select_n3A_611 : vector<112x128xi1>, vector<112x128xf32>
    %broadcast_in_dim3A_671 = vector.broadcast %get3A_627 : f32 to vector<112x128xf32>
    %select_n3A_672 = arith.select %gt3A_659, %broadcast_in_dim3A_671, %select_n3A_613 : vector<112x128xi1>, vector<112x128xf32>
    %broadcast_in_dim3A_673 = vector.broadcast %get3A_631 : f32 to vector<112x128xf32>
    %select_n3A_674 = arith.select %gt3A_659, %broadcast_in_dim3A_673, %select_n3A_615 : vector<112x128xi1>, vector<112x128xf32>
    %get3A_675 = arith.constant 0 : index
    %get3A_676 = arith.constant 0 : index
    %get3A_677 = arith.constant 44 : index
    %get3A_678 = memref.load %arg2[%get3A_675, %get3A_676, %get3A_677] : memref<1x1x128xf32, #tpu.memory_space<smem>>
    %get3A_679 = arith.constant 0 : index
    %get3A_680 = arith.constant 0 : index
    %get3A_681 = arith.constant 45 : index
    %get3A_682 = memref.load %arg2[%get3A_679, %get3A_680, %get3A_681] : memref<1x1x128xf32, #tpu.memory_space<smem>>
    %get3A_683 = arith.constant 0 : index
    %get3A_684 = arith.constant 0 : index
    %get3A_685 = arith.constant 46 : index
    %get3A_686 = memref.load %arg2[%get3A_683, %get3A_684, %get3A_685] : memref<1x1x128xf32, #tpu.memory_space<smem>>
    %get3A_687 = arith.constant 0 : index
    %get3A_688 = arith.constant 0 : index
    %get3A_689 = arith.constant 47 : index
    %get3A_690 = memref.load %arg2[%get3A_687, %get3A_688, %get3A_689] : memref<1x1x128xf32, #tpu.memory_space<smem>>
    %sub3A_691 = arith.subf %get3A_686, %get3A_678 : f32
    %sub3A_692 = arith.subf %get3A_690, %get3A_682 : f32
    %mul3A_693 = arith.mulf %sub3A_691, %sub3A_692 : f32
    %min3A_694 = vector.broadcast %get3A_686 : f32 to vector<112x128xf32>
    %min3A_695 = arith.minimumf %get3A_15, %min3A_694 : vector<112x128xf32>
    %max3A_696 = vector.broadcast %get3A_678 : f32 to vector<112x128xf32>
    %max3A_697 = arith.maximumf %get3A_5, %max3A_696 : vector<112x128xf32>
    %sub3A_698 = arith.subf %min3A_695, %max3A_697 : vector<112x128xf32>
    %jit3A_699 = arith.constant 0.000000e+00 : f32
    %max3A_700 = vector.broadcast %jit3A_699 : f32 to vector<112x128xf32>
    %max3A_701 = arith.maximumf %max3A_700, %sub3A_698 : vector<112x128xf32>
    %min3A_702 = vector.broadcast %get3A_690 : f32 to vector<112x128xf32>
    %min3A_703 = arith.minimumf %get3A_20, %min3A_702 : vector<112x128xf32>
    %max3A_704 = vector.broadcast %get3A_682 : f32 to vector<112x128xf32>
    %max3A_705 = arith.maximumf %get3A_10, %max3A_704 : vector<112x128xf32>
    %sub3A_706 = arith.subf %min3A_703, %max3A_705 : vector<112x128xf32>
    %jit3A_707 = arith.constant 0.000000e+00 : f32
    %max3A_708 = vector.broadcast %jit3A_707 : f32 to vector<112x128xf32>
    %max3A_709 = arith.maximumf %max3A_708, %sub3A_706 : vector<112x128xf32>
    %mul3A_710 = arith.mulf %max3A_701, %max3A_709 : vector<112x128xf32>
    %add3A_711 = vector.broadcast %mul3A_693 : f32 to vector<112x128xf32>
    %add3A_712 = arith.addf %mul3A, %add3A_711 : vector<112x128xf32>
    %sub3A_713 = arith.subf %add3A_712, %mul3A_710 : vector<112x128xf32>
    %max3A_714 = arith.constant 9.99999971E-10 : f32
    %max3A_715 = vector.broadcast %max3A_714 : f32 to vector<112x128xf32>
    %max3A_716 = arith.maximumf %sub3A_713, %max3A_715 : vector<112x128xf32>
    %div3A_717 = arith.divf %mul3A_710, %max3A_716 : vector<112x128xf32>
    %gt3A_718 = arith.cmpf ogt, %div3A_717, %select_n3A_660 : vector<112x128xf32>
    %select_n3A_719 = arith.select %gt3A_718, %div3A_717, %select_n3A_660 : vector<112x128xi1>, vector<112x128xf32>
    %get3A_720 = arith.constant 0 : index
    %get3A_721 = arith.constant 0 : index
    %get3A_722 = arith.constant 11 : index
    %get3A_723 = memref.load %arg3[%get3A_720, %get3A_721, %get3A_722] : memref<1x1x32xf32, #tpu.memory_space<smem>>
    %broadcast_in_dim3A_724 = vector.broadcast %get3A_723 : f32 to vector<112x128xf32>
    %select_n3A_725 = arith.select %gt3A_718, %broadcast_in_dim3A_724, %select_n3A_666 : vector<112x128xi1>, vector<112x128xf32>
    %broadcast_in_dim3A_726 = vector.broadcast %get3A_678 : f32 to vector<112x128xf32>
    %select_n3A_727 = arith.select %gt3A_718, %broadcast_in_dim3A_726, %select_n3A_668 : vector<112x128xi1>, vector<112x128xf32>
    %broadcast_in_dim3A_728 = vector.broadcast %get3A_682 : f32 to vector<112x128xf32>
    %select_n3A_729 = arith.select %gt3A_718, %broadcast_in_dim3A_728, %select_n3A_670 : vector<112x128xi1>, vector<112x128xf32>
    %broadcast_in_dim3A_730 = vector.broadcast %get3A_686 : f32 to vector<112x128xf32>
    %select_n3A_731 = arith.select %gt3A_718, %broadcast_in_dim3A_730, %select_n3A_672 : vector<112x128xi1>, vector<112x128xf32>
    %broadcast_in_dim3A_732 = vector.broadcast %get3A_690 : f32 to vector<112x128xf32>
    %select_n3A_733 = arith.select %gt3A_718, %broadcast_in_dim3A_732, %select_n3A_674 : vector<112x128xi1>, vector<112x128xf32>
    %get3A_734 = arith.constant 0 : index
    %get3A_735 = arith.constant 0 : index
    %get3A_736 = arith.constant 48 : index
    %get3A_737 = memref.load %arg2[%get3A_734, %get3A_735, %get3A_736] : memref<1x1x128xf32, #tpu.memory_space<smem>>
    %get3A_738 = arith.constant 0 : index
    %get3A_739 = arith.constant 0 : index
    %get3A_740 = arith.constant 49 : index
    %get3A_741 = memref.load %arg2[%get3A_738, %get3A_739, %get3A_740] : memref<1x1x128xf32, #tpu.memory_space<smem>>
    %get3A_742 = arith.constant 0 : index
    %get3A_743 = arith.constant 0 : index
    %get3A_744 = arith.constant 50 : index
    %get3A_745 = memref.load %arg2[%get3A_742, %get3A_743, %get3A_744] : memref<1x1x128xf32, #tpu.memory_space<smem>>
    %get3A_746 = arith.constant 0 : index
    %get3A_747 = arith.constant 0 : index
    %get3A_748 = arith.constant 51 : index
    %get3A_749 = memref.load %arg2[%get3A_746, %get3A_747, %get3A_748] : memref<1x1x128xf32, #tpu.memory_space<smem>>
    %sub3A_750 = arith.subf %get3A_745, %get3A_737 : f32
    %sub3A_751 = arith.subf %get3A_749, %get3A_741 : f32
    %mul3A_752 = arith.mulf %sub3A_750, %sub3A_751 : f32
    %min3A_753 = vector.broadcast %get3A_745 : f32 to vector<112x128xf32>
    %min3A_754 = arith.minimumf %get3A_15, %min3A_753 : vector<112x128xf32>
    %max3A_755 = vector.broadcast %get3A_737 : f32 to vector<112x128xf32>
    %max3A_756 = arith.maximumf %get3A_5, %max3A_755 : vector<112x128xf32>
    %sub3A_757 = arith.subf %min3A_754, %max3A_756 : vector<112x128xf32>
    %jit3A_758 = arith.constant 0.000000e+00 : f32
    %max3A_759 = vector.broadcast %jit3A_758 : f32 to vector<112x128xf32>
    %max3A_760 = arith.maximumf %max3A_759, %sub3A_757 : vector<112x128xf32>
    %min3A_761 = vector.broadcast %get3A_749 : f32 to vector<112x128xf32>
    %min3A_762 = arith.minimumf %get3A_20, %min3A_761 : vector<112x128xf32>
    %max3A_763 = vector.broadcast %get3A_741 : f32 to vector<112x128xf32>
    %max3A_764 = arith.maximumf %get3A_10, %max3A_763 : vector<112x128xf32>
    %sub3A_765 = arith.subf %min3A_762, %max3A_764 : vector<112x128xf32>
    %jit3A_766 = arith.constant 0.000000e+00 : f32
    %max3A_767 = vector.broadcast %jit3A_766 : f32 to vector<112x128xf32>
    %max3A_768 = arith.maximumf %max3A_767, %sub3A_765 : vector<112x128xf32>
    %mul3A_769 = arith.mulf %max3A_760, %max3A_768 : vector<112x128xf32>
    %add3A_770 = vector.broadcast %mul3A_752 : f32 to vector<112x128xf32>
    %add3A_771 = arith.addf %mul3A, %add3A_770 : vector<112x128xf32>
    %sub3A_772 = arith.subf %add3A_771, %mul3A_769 : vector<112x128xf32>
    %max3A_773 = arith.constant 9.99999971E-10 : f32
    %max3A_774 = vector.broadcast %max3A_773 : f32 to vector<112x128xf32>
    %max3A_775 = arith.maximumf %sub3A_772, %max3A_774 : vector<112x128xf32>
    %div3A_776 = arith.divf %mul3A_769, %max3A_775 : vector<112x128xf32>
    %gt3A_777 = arith.cmpf ogt, %div3A_776, %select_n3A_719 : vector<112x128xf32>
    %select_n3A_778 = arith.select %gt3A_777, %div3A_776, %select_n3A_719 : vector<112x128xi1>, vector<112x128xf32>
    %get3A_779 = arith.constant 0 : index
    %get3A_780 = arith.constant 0 : index
    %get3A_781 = arith.constant 12 : index
    %get3A_782 = memref.load %arg3[%get3A_779, %get3A_780, %get3A_781] : memref<1x1x32xf32, #tpu.memory_space<smem>>
    %broadcast_in_dim3A_783 = vector.broadcast %get3A_782 : f32 to vector<112x128xf32>
    %select_n3A_784 = arith.select %gt3A_777, %broadcast_in_dim3A_783, %select_n3A_725 : vector<112x128xi1>, vector<112x128xf32>
    %broadcast_in_dim3A_785 = vector.broadcast %get3A_737 : f32 to vector<112x128xf32>
    %select_n3A_786 = arith.select %gt3A_777, %broadcast_in_dim3A_785, %select_n3A_727 : vector<112x128xi1>, vector<112x128xf32>
    %broadcast_in_dim3A_787 = vector.broadcast %get3A_741 : f32 to vector<112x128xf32>
    %select_n3A_788 = arith.select %gt3A_777, %broadcast_in_dim3A_787, %select_n3A_729 : vector<112x128xi1>, vector<112x128xf32>
    %broadcast_in_dim3A_789 = vector.broadcast %get3A_745 : f32 to vector<112x128xf32>
    %select_n3A_790 = arith.select %gt3A_777, %broadcast_in_dim3A_789, %select_n3A_731 : vector<112x128xi1>, vector<112x128xf32>
    %broadcast_in_dim3A_791 = vector.broadcast %get3A_749 : f32 to vector<112x128xf32>
    %select_n3A_792 = arith.select %gt3A_777, %broadcast_in_dim3A_791, %select_n3A_733 : vector<112x128xi1>, vector<112x128xf32>
    %get3A_793 = arith.constant 0 : index
    %get3A_794 = arith.constant 0 : index
    %get3A_795 = arith.constant 52 : index
    %get3A_796 = memref.load %arg2[%get3A_793, %get3A_794, %get3A_795] : memref<1x1x128xf32, #tpu.memory_space<smem>>
    %get3A_797 = arith.constant 0 : index
    %get3A_798 = arith.constant 0 : index
    %get3A_799 = arith.constant 53 : index
    %get3A_800 = memref.load %arg2[%get3A_797, %get3A_798, %get3A_799] : memref<1x1x128xf32, #tpu.memory_space<smem>>
    %get3A_801 = arith.constant 0 : index
    %get3A_802 = arith.constant 0 : index
    %get3A_803 = arith.constant 54 : index
    %get3A_804 = memref.load %arg2[%get3A_801, %get3A_802, %get3A_803] : memref<1x1x128xf32, #tpu.memory_space<smem>>
    %get3A_805 = arith.constant 0 : index
    %get3A_806 = arith.constant 0 : index
    %get3A_807 = arith.constant 55 : index
    %get3A_808 = memref.load %arg2[%get3A_805, %get3A_806, %get3A_807] : memref<1x1x128xf32, #tpu.memory_space<smem>>
    %sub3A_809 = arith.subf %get3A_804, %get3A_796 : f32
    %sub3A_810 = arith.subf %get3A_808, %get3A_800 : f32
    %mul3A_811 = arith.mulf %sub3A_809, %sub3A_810 : f32
    %min3A_812 = vector.broadcast %get3A_804 : f32 to vector<112x128xf32>
    %min3A_813 = arith.minimumf %get3A_15, %min3A_812 : vector<112x128xf32>
    %max3A_814 = vector.broadcast %get3A_796 : f32 to vector<112x128xf32>
    %max3A_815 = arith.maximumf %get3A_5, %max3A_814 : vector<112x128xf32>
    %sub3A_816 = arith.subf %min3A_813, %max3A_815 : vector<112x128xf32>
    %jit3A_817 = arith.constant 0.000000e+00 : f32
    %max3A_818 = vector.broadcast %jit3A_817 : f32 to vector<112x128xf32>
    %max3A_819 = arith.maximumf %max3A_818, %sub3A_816 : vector<112x128xf32>
    %min3A_820 = vector.broadcast %get3A_808 : f32 to vector<112x128xf32>
    %min3A_821 = arith.minimumf %get3A_20, %min3A_820 : vector<112x128xf32>
    %max3A_822 = vector.broadcast %get3A_800 : f32 to vector<112x128xf32>
    %max3A_823 = arith.maximumf %get3A_10, %max3A_822 : vector<112x128xf32>
    %sub3A_824 = arith.subf %min3A_821, %max3A_823 : vector<112x128xf32>
    %jit3A_825 = arith.constant 0.000000e+00 : f32
    %max3A_826 = vector.broadcast %jit3A_825 : f32 to vector<112x128xf32>
    %max3A_827 = arith.maximumf %max3A_826, %sub3A_824 : vector<112x128xf32>
    %mul3A_828 = arith.mulf %max3A_819, %max3A_827 : vector<112x128xf32>
    %add3A_829 = vector.broadcast %mul3A_811 : f32 to vector<112x128xf32>
    %add3A_830 = arith.addf %mul3A, %add3A_829 : vector<112x128xf32>
    %sub3A_831 = arith.subf %add3A_830, %mul3A_828 : vector<112x128xf32>
    %max3A_832 = arith.constant 9.99999971E-10 : f32
    %max3A_833 = vector.broadcast %max3A_832 : f32 to vector<112x128xf32>
    %max3A_834 = arith.maximumf %sub3A_831, %max3A_833 : vector<112x128xf32>
    %div3A_835 = arith.divf %mul3A_828, %max3A_834 : vector<112x128xf32>
    %gt3A_836 = arith.cmpf ogt, %div3A_835, %select_n3A_778 : vector<112x128xf32>
    %select_n3A_837 = arith.select %gt3A_836, %div3A_835, %select_n3A_778 : vector<112x128xi1>, vector<112x128xf32>
    %get3A_838 = arith.constant 0 : index
    %get3A_839 = arith.constant 0 : index
    %get3A_840 = arith.constant 13 : index
    %get3A_841 = memref.load %arg3[%get3A_838, %get3A_839, %get3A_840] : memref<1x1x32xf32, #tpu.memory_space<smem>>
    %broadcast_in_dim3A_842 = vector.broadcast %get3A_841 : f32 to vector<112x128xf32>
    %select_n3A_843 = arith.select %gt3A_836, %broadcast_in_dim3A_842, %select_n3A_784 : vector<112x128xi1>, vector<112x128xf32>
    %broadcast_in_dim3A_844 = vector.broadcast %get3A_796 : f32 to vector<112x128xf32>
    %select_n3A_845 = arith.select %gt3A_836, %broadcast_in_dim3A_844, %select_n3A_786 : vector<112x128xi1>, vector<112x128xf32>
    %broadcast_in_dim3A_846 = vector.broadcast %get3A_800 : f32 to vector<112x128xf32>
    %select_n3A_847 = arith.select %gt3A_836, %broadcast_in_dim3A_846, %select_n3A_788 : vector<112x128xi1>, vector<112x128xf32>
    %broadcast_in_dim3A_848 = vector.broadcast %get3A_804 : f32 to vector<112x128xf32>
    %select_n3A_849 = arith.select %gt3A_836, %broadcast_in_dim3A_848, %select_n3A_790 : vector<112x128xi1>, vector<112x128xf32>
    %broadcast_in_dim3A_850 = vector.broadcast %get3A_808 : f32 to vector<112x128xf32>
    %select_n3A_851 = arith.select %gt3A_836, %broadcast_in_dim3A_850, %select_n3A_792 : vector<112x128xi1>, vector<112x128xf32>
    %get3A_852 = arith.constant 0 : index
    %get3A_853 = arith.constant 0 : index
    %get3A_854 = arith.constant 56 : index
    %get3A_855 = memref.load %arg2[%get3A_852, %get3A_853, %get3A_854] : memref<1x1x128xf32, #tpu.memory_space<smem>>
    %get3A_856 = arith.constant 0 : index
    %get3A_857 = arith.constant 0 : index
    %get3A_858 = arith.constant 57 : index
    %get3A_859 = memref.load %arg2[%get3A_856, %get3A_857, %get3A_858] : memref<1x1x128xf32, #tpu.memory_space<smem>>
    %get3A_860 = arith.constant 0 : index
    %get3A_861 = arith.constant 0 : index
    %get3A_862 = arith.constant 58 : index
    %get3A_863 = memref.load %arg2[%get3A_860, %get3A_861, %get3A_862] : memref<1x1x128xf32, #tpu.memory_space<smem>>
    %get3A_864 = arith.constant 0 : index
    %get3A_865 = arith.constant 0 : index
    %get3A_866 = arith.constant 59 : index
    %get3A_867 = memref.load %arg2[%get3A_864, %get3A_865, %get3A_866] : memref<1x1x128xf32, #tpu.memory_space<smem>>
    %sub3A_868 = arith.subf %get3A_863, %get3A_855 : f32
    %sub3A_869 = arith.subf %get3A_867, %get3A_859 : f32
    %mul3A_870 = arith.mulf %sub3A_868, %sub3A_869 : f32
    %min3A_871 = vector.broadcast %get3A_863 : f32 to vector<112x128xf32>
    %min3A_872 = arith.minimumf %get3A_15, %min3A_871 : vector<112x128xf32>
    %max3A_873 = vector.broadcast %get3A_855 : f32 to vector<112x128xf32>
    %max3A_874 = arith.maximumf %get3A_5, %max3A_873 : vector<112x128xf32>
    %sub3A_875 = arith.subf %min3A_872, %max3A_874 : vector<112x128xf32>
    %jit3A_876 = arith.constant 0.000000e+00 : f32
    %max3A_877 = vector.broadcast %jit3A_876 : f32 to vector<112x128xf32>
    %max3A_878 = arith.maximumf %max3A_877, %sub3A_875 : vector<112x128xf32>
    %min3A_879 = vector.broadcast %get3A_867 : f32 to vector<112x128xf32>
    %min3A_880 = arith.minimumf %get3A_20, %min3A_879 : vector<112x128xf32>
    %max3A_881 = vector.broadcast %get3A_859 : f32 to vector<112x128xf32>
    %max3A_882 = arith.maximumf %get3A_10, %max3A_881 : vector<112x128xf32>
    %sub3A_883 = arith.subf %min3A_880, %max3A_882 : vector<112x128xf32>
    %jit3A_884 = arith.constant 0.000000e+00 : f32
    %max3A_885 = vector.broadcast %jit3A_884 : f32 to vector<112x128xf32>
    %max3A_886 = arith.maximumf %max3A_885, %sub3A_883 : vector<112x128xf32>
    %mul3A_887 = arith.mulf %max3A_878, %max3A_886 : vector<112x128xf32>
    %add3A_888 = vector.broadcast %mul3A_870 : f32 to vector<112x128xf32>
    %add3A_889 = arith.addf %mul3A, %add3A_888 : vector<112x128xf32>
    %sub3A_890 = arith.subf %add3A_889, %mul3A_887 : vector<112x128xf32>
    %max3A_891 = arith.constant 9.99999971E-10 : f32
    %max3A_892 = vector.broadcast %max3A_891 : f32 to vector<112x128xf32>
    %max3A_893 = arith.maximumf %sub3A_890, %max3A_892 : vector<112x128xf32>
    %div3A_894 = arith.divf %mul3A_887, %max3A_893 : vector<112x128xf32>
    %gt3A_895 = arith.cmpf ogt, %div3A_894, %select_n3A_837 : vector<112x128xf32>
    %select_n3A_896 = arith.select %gt3A_895, %div3A_894, %select_n3A_837 : vector<112x128xi1>, vector<112x128xf32>
    %get3A_897 = arith.constant 0 : index
    %get3A_898 = arith.constant 0 : index
    %get3A_899 = arith.constant 14 : index
    %get3A_900 = memref.load %arg3[%get3A_897, %get3A_898, %get3A_899] : memref<1x1x32xf32, #tpu.memory_space<smem>>
    %broadcast_in_dim3A_901 = vector.broadcast %get3A_900 : f32 to vector<112x128xf32>
    %select_n3A_902 = arith.select %gt3A_895, %broadcast_in_dim3A_901, %select_n3A_843 : vector<112x128xi1>, vector<112x128xf32>
    %broadcast_in_dim3A_903 = vector.broadcast %get3A_855 : f32 to vector<112x128xf32>
    %select_n3A_904 = arith.select %gt3A_895, %broadcast_in_dim3A_903, %select_n3A_845 : vector<112x128xi1>, vector<112x128xf32>
    %broadcast_in_dim3A_905 = vector.broadcast %get3A_859 : f32 to vector<112x128xf32>
    %select_n3A_906 = arith.select %gt3A_895, %broadcast_in_dim3A_905, %select_n3A_847 : vector<112x128xi1>, vector<112x128xf32>
    %broadcast_in_dim3A_907 = vector.broadcast %get3A_863 : f32 to vector<112x128xf32>
    %select_n3A_908 = arith.select %gt3A_895, %broadcast_in_dim3A_907, %select_n3A_849 : vector<112x128xi1>, vector<112x128xf32>
    %broadcast_in_dim3A_909 = vector.broadcast %get3A_867 : f32 to vector<112x128xf32>
    %select_n3A_910 = arith.select %gt3A_895, %broadcast_in_dim3A_909, %select_n3A_851 : vector<112x128xi1>, vector<112x128xf32>
    %get3A_911 = arith.constant 0 : index
    %get3A_912 = arith.constant 0 : index
    %get3A_913 = arith.constant 60 : index
    %get3A_914 = memref.load %arg2[%get3A_911, %get3A_912, %get3A_913] : memref<1x1x128xf32, #tpu.memory_space<smem>>
    %get3A_915 = arith.constant 0 : index
    %get3A_916 = arith.constant 0 : index
    %get3A_917 = arith.constant 61 : index
    %get3A_918 = memref.load %arg2[%get3A_915, %get3A_916, %get3A_917] : memref<1x1x128xf32, #tpu.memory_space<smem>>
    %get3A_919 = arith.constant 0 : index
    %get3A_920 = arith.constant 0 : index
    %get3A_921 = arith.constant 62 : index
    %get3A_922 = memref.load %arg2[%get3A_919, %get3A_920, %get3A_921] : memref<1x1x128xf32, #tpu.memory_space<smem>>
    %get3A_923 = arith.constant 0 : index
    %get3A_924 = arith.constant 0 : index
    %get3A_925 = arith.constant 63 : index
    %get3A_926 = memref.load %arg2[%get3A_923, %get3A_924, %get3A_925] : memref<1x1x128xf32, #tpu.memory_space<smem>>
    %sub3A_927 = arith.subf %get3A_922, %get3A_914 : f32
    %sub3A_928 = arith.subf %get3A_926, %get3A_918 : f32
    %mul3A_929 = arith.mulf %sub3A_927, %sub3A_928 : f32
    %min3A_930 = vector.broadcast %get3A_922 : f32 to vector<112x128xf32>
    %min3A_931 = arith.minimumf %get3A_15, %min3A_930 : vector<112x128xf32>
    %max3A_932 = vector.broadcast %get3A_914 : f32 to vector<112x128xf32>
    %max3A_933 = arith.maximumf %get3A_5, %max3A_932 : vector<112x128xf32>
    %sub3A_934 = arith.subf %min3A_931, %max3A_933 : vector<112x128xf32>
    %jit3A_935 = arith.constant 0.000000e+00 : f32
    %max3A_936 = vector.broadcast %jit3A_935 : f32 to vector<112x128xf32>
    %max3A_937 = arith.maximumf %max3A_936, %sub3A_934 : vector<112x128xf32>
    %min3A_938 = vector.broadcast %get3A_926 : f32 to vector<112x128xf32>
    %min3A_939 = arith.minimumf %get3A_20, %min3A_938 : vector<112x128xf32>
    %max3A_940 = vector.broadcast %get3A_918 : f32 to vector<112x128xf32>
    %max3A_941 = arith.maximumf %get3A_10, %max3A_940 : vector<112x128xf32>
    %sub3A_942 = arith.subf %min3A_939, %max3A_941 : vector<112x128xf32>
    %jit3A_943 = arith.constant 0.000000e+00 : f32
    %max3A_944 = vector.broadcast %jit3A_943 : f32 to vector<112x128xf32>
    %max3A_945 = arith.maximumf %max3A_944, %sub3A_942 : vector<112x128xf32>
    %mul3A_946 = arith.mulf %max3A_937, %max3A_945 : vector<112x128xf32>
    %add3A_947 = vector.broadcast %mul3A_929 : f32 to vector<112x128xf32>
    %add3A_948 = arith.addf %mul3A, %add3A_947 : vector<112x128xf32>
    %sub3A_949 = arith.subf %add3A_948, %mul3A_946 : vector<112x128xf32>
    %max3A_950 = arith.constant 9.99999971E-10 : f32
    %max3A_951 = vector.broadcast %max3A_950 : f32 to vector<112x128xf32>
    %max3A_952 = arith.maximumf %sub3A_949, %max3A_951 : vector<112x128xf32>
    %div3A_953 = arith.divf %mul3A_946, %max3A_952 : vector<112x128xf32>
    %gt3A_954 = arith.cmpf ogt, %div3A_953, %select_n3A_896 : vector<112x128xf32>
    %select_n3A_955 = arith.select %gt3A_954, %div3A_953, %select_n3A_896 : vector<112x128xi1>, vector<112x128xf32>
    %get3A_956 = arith.constant 0 : index
    %get3A_957 = arith.constant 0 : index
    %get3A_958 = arith.constant 15 : index
    %get3A_959 = memref.load %arg3[%get3A_956, %get3A_957, %get3A_958] : memref<1x1x32xf32, #tpu.memory_space<smem>>
    %broadcast_in_dim3A_960 = vector.broadcast %get3A_959 : f32 to vector<112x128xf32>
    %select_n3A_961 = arith.select %gt3A_954, %broadcast_in_dim3A_960, %select_n3A_902 : vector<112x128xi1>, vector<112x128xf32>
    %broadcast_in_dim3A_962 = vector.broadcast %get3A_914 : f32 to vector<112x128xf32>
    %select_n3A_963 = arith.select %gt3A_954, %broadcast_in_dim3A_962, %select_n3A_904 : vector<112x128xi1>, vector<112x128xf32>
    %broadcast_in_dim3A_964 = vector.broadcast %get3A_918 : f32 to vector<112x128xf32>
    %select_n3A_965 = arith.select %gt3A_954, %broadcast_in_dim3A_964, %select_n3A_906 : vector<112x128xi1>, vector<112x128xf32>
    %broadcast_in_dim3A_966 = vector.broadcast %get3A_922 : f32 to vector<112x128xf32>
    %select_n3A_967 = arith.select %gt3A_954, %broadcast_in_dim3A_966, %select_n3A_908 : vector<112x128xi1>, vector<112x128xf32>
    %broadcast_in_dim3A_968 = vector.broadcast %get3A_926 : f32 to vector<112x128xf32>
    %select_n3A_969 = arith.select %gt3A_954, %broadcast_in_dim3A_968, %select_n3A_910 : vector<112x128xi1>, vector<112x128xf32>
    %get3A_970 = arith.constant 0 : index
    %get3A_971 = arith.constant 0 : index
    %get3A_972 = arith.constant 64 : index
    %get3A_973 = memref.load %arg2[%get3A_970, %get3A_971, %get3A_972] : memref<1x1x128xf32, #tpu.memory_space<smem>>
    %get3A_974 = arith.constant 0 : index
    %get3A_975 = arith.constant 0 : index
    %get3A_976 = arith.constant 65 : index
    %get3A_977 = memref.load %arg2[%get3A_974, %get3A_975, %get3A_976] : memref<1x1x128xf32, #tpu.memory_space<smem>>
    %get3A_978 = arith.constant 0 : index
    %get3A_979 = arith.constant 0 : index
    %get3A_980 = arith.constant 66 : index
    %get3A_981 = memref.load %arg2[%get3A_978, %get3A_979, %get3A_980] : memref<1x1x128xf32, #tpu.memory_space<smem>>
    %get3A_982 = arith.constant 0 : index
    %get3A_983 = arith.constant 0 : index
    %get3A_984 = arith.constant 67 : index
    %get3A_985 = memref.load %arg2[%get3A_982, %get3A_983, %get3A_984] : memref<1x1x128xf32, #tpu.memory_space<smem>>
    %sub3A_986 = arith.subf %get3A_981, %get3A_973 : f32
    %sub3A_987 = arith.subf %get3A_985, %get3A_977 : f32
    %mul3A_988 = arith.mulf %sub3A_986, %sub3A_987 : f32
    %min3A_989 = vector.broadcast %get3A_981 : f32 to vector<112x128xf32>
    %min3A_990 = arith.minimumf %get3A_15, %min3A_989 : vector<112x128xf32>
    %max3A_991 = vector.broadcast %get3A_973 : f32 to vector<112x128xf32>
    %max3A_992 = arith.maximumf %get3A_5, %max3A_991 : vector<112x128xf32>
    %sub3A_993 = arith.subf %min3A_990, %max3A_992 : vector<112x128xf32>
    %jit3A_994 = arith.constant 0.000000e+00 : f32
    %max3A_995 = vector.broadcast %jit3A_994 : f32 to vector<112x128xf32>
    %max3A_996 = arith.maximumf %max3A_995, %sub3A_993 : vector<112x128xf32>
    %min3A_997 = vector.broadcast %get3A_985 : f32 to vector<112x128xf32>
    %min3A_998 = arith.minimumf %get3A_20, %min3A_997 : vector<112x128xf32>
    %max3A_999 = vector.broadcast %get3A_977 : f32 to vector<112x128xf32>
    %max3A_1000 = arith.maximumf %get3A_10, %max3A_999 : vector<112x128xf32>
    %sub3A_1001 = arith.subf %min3A_998, %max3A_1000 : vector<112x128xf32>
    %jit3A_1002 = arith.constant 0.000000e+00 : f32
    %max3A_1003 = vector.broadcast %jit3A_1002 : f32 to vector<112x128xf32>
    %max3A_1004 = arith.maximumf %max3A_1003, %sub3A_1001 : vector<112x128xf32>
    %mul3A_1005 = arith.mulf %max3A_996, %max3A_1004 : vector<112x128xf32>
    %add3A_1006 = vector.broadcast %mul3A_988 : f32 to vector<112x128xf32>
    %add3A_1007 = arith.addf %mul3A, %add3A_1006 : vector<112x128xf32>
    %sub3A_1008 = arith.subf %add3A_1007, %mul3A_1005 : vector<112x128xf32>
    %max3A_1009 = arith.constant 9.99999971E-10 : f32
    %max3A_1010 = vector.broadcast %max3A_1009 : f32 to vector<112x128xf32>
    %max3A_1011 = arith.maximumf %sub3A_1008, %max3A_1010 : vector<112x128xf32>
    %div3A_1012 = arith.divf %mul3A_1005, %max3A_1011 : vector<112x128xf32>
    %gt3A_1013 = arith.cmpf ogt, %div3A_1012, %select_n3A_955 : vector<112x128xf32>
    %select_n3A_1014 = arith.select %gt3A_1013, %div3A_1012, %select_n3A_955 : vector<112x128xi1>, vector<112x128xf32>
    %get3A_1015 = arith.constant 0 : index
    %get3A_1016 = arith.constant 0 : index
    %get3A_1017 = arith.constant 16 : index
    %get3A_1018 = memref.load %arg3[%get3A_1015, %get3A_1016, %get3A_1017] : memref<1x1x32xf32, #tpu.memory_space<smem>>
    %broadcast_in_dim3A_1019 = vector.broadcast %get3A_1018 : f32 to vector<112x128xf32>
    %select_n3A_1020 = arith.select %gt3A_1013, %broadcast_in_dim3A_1019, %select_n3A_961 : vector<112x128xi1>, vector<112x128xf32>
    %broadcast_in_dim3A_1021 = vector.broadcast %get3A_973 : f32 to vector<112x128xf32>
    %select_n3A_1022 = arith.select %gt3A_1013, %broadcast_in_dim3A_1021, %select_n3A_963 : vector<112x128xi1>, vector<112x128xf32>
    %broadcast_in_dim3A_1023 = vector.broadcast %get3A_977 : f32 to vector<112x128xf32>
    %select_n3A_1024 = arith.select %gt3A_1013, %broadcast_in_dim3A_1023, %select_n3A_965 : vector<112x128xi1>, vector<112x128xf32>
    %broadcast_in_dim3A_1025 = vector.broadcast %get3A_981 : f32 to vector<112x128xf32>
    %select_n3A_1026 = arith.select %gt3A_1013, %broadcast_in_dim3A_1025, %select_n3A_967 : vector<112x128xi1>, vector<112x128xf32>
    %broadcast_in_dim3A_1027 = vector.broadcast %get3A_985 : f32 to vector<112x128xf32>
    %select_n3A_1028 = arith.select %gt3A_1013, %broadcast_in_dim3A_1027, %select_n3A_969 : vector<112x128xi1>, vector<112x128xf32>
    %get3A_1029 = arith.constant 0 : index
    %get3A_1030 = arith.constant 0 : index
    %get3A_1031 = arith.constant 68 : index
    %get3A_1032 = memref.load %arg2[%get3A_1029, %get3A_1030, %get3A_1031] : memref<1x1x128xf32, #tpu.memory_space<smem>>
    %get3A_1033 = arith.constant 0 : index
    %get3A_1034 = arith.constant 0 : index
    %get3A_1035 = arith.constant 69 : index
    %get3A_1036 = memref.load %arg2[%get3A_1033, %get3A_1034, %get3A_1035] : memref<1x1x128xf32, #tpu.memory_space<smem>>
    %get3A_1037 = arith.constant 0 : index
    %get3A_1038 = arith.constant 0 : index
    %get3A_1039 = arith.constant 70 : index
    %get3A_1040 = memref.load %arg2[%get3A_1037, %get3A_1038, %get3A_1039] : memref<1x1x128xf32, #tpu.memory_space<smem>>
    %get3A_1041 = arith.constant 0 : index
    %get3A_1042 = arith.constant 0 : index
    %get3A_1043 = arith.constant 71 : index
    %get3A_1044 = memref.load %arg2[%get3A_1041, %get3A_1042, %get3A_1043] : memref<1x1x128xf32, #tpu.memory_space<smem>>
    %sub3A_1045 = arith.subf %get3A_1040, %get3A_1032 : f32
    %sub3A_1046 = arith.subf %get3A_1044, %get3A_1036 : f32
    %mul3A_1047 = arith.mulf %sub3A_1045, %sub3A_1046 : f32
    %min3A_1048 = vector.broadcast %get3A_1040 : f32 to vector<112x128xf32>
    %min3A_1049 = arith.minimumf %get3A_15, %min3A_1048 : vector<112x128xf32>
    %max3A_1050 = vector.broadcast %get3A_1032 : f32 to vector<112x128xf32>
    %max3A_1051 = arith.maximumf %get3A_5, %max3A_1050 : vector<112x128xf32>
    %sub3A_1052 = arith.subf %min3A_1049, %max3A_1051 : vector<112x128xf32>
    %jit3A_1053 = arith.constant 0.000000e+00 : f32
    %max3A_1054 = vector.broadcast %jit3A_1053 : f32 to vector<112x128xf32>
    %max3A_1055 = arith.maximumf %max3A_1054, %sub3A_1052 : vector<112x128xf32>
    %min3A_1056 = vector.broadcast %get3A_1044 : f32 to vector<112x128xf32>
    %min3A_1057 = arith.minimumf %get3A_20, %min3A_1056 : vector<112x128xf32>
    %max3A_1058 = vector.broadcast %get3A_1036 : f32 to vector<112x128xf32>
    %max3A_1059 = arith.maximumf %get3A_10, %max3A_1058 : vector<112x128xf32>
    %sub3A_1060 = arith.subf %min3A_1057, %max3A_1059 : vector<112x128xf32>
    %jit3A_1061 = arith.constant 0.000000e+00 : f32
    %max3A_1062 = vector.broadcast %jit3A_1061 : f32 to vector<112x128xf32>
    %max3A_1063 = arith.maximumf %max3A_1062, %sub3A_1060 : vector<112x128xf32>
    %mul3A_1064 = arith.mulf %max3A_1055, %max3A_1063 : vector<112x128xf32>
    %add3A_1065 = vector.broadcast %mul3A_1047 : f32 to vector<112x128xf32>
    %add3A_1066 = arith.addf %mul3A, %add3A_1065 : vector<112x128xf32>
    %sub3A_1067 = arith.subf %add3A_1066, %mul3A_1064 : vector<112x128xf32>
    %max3A_1068 = arith.constant 9.99999971E-10 : f32
    %max3A_1069 = vector.broadcast %max3A_1068 : f32 to vector<112x128xf32>
    %max3A_1070 = arith.maximumf %sub3A_1067, %max3A_1069 : vector<112x128xf32>
    %div3A_1071 = arith.divf %mul3A_1064, %max3A_1070 : vector<112x128xf32>
    %gt3A_1072 = arith.cmpf ogt, %div3A_1071, %select_n3A_1014 : vector<112x128xf32>
    %select_n3A_1073 = arith.select %gt3A_1072, %div3A_1071, %select_n3A_1014 : vector<112x128xi1>, vector<112x128xf32>
    %get3A_1074 = arith.constant 0 : index
    %get3A_1075 = arith.constant 0 : index
    %get3A_1076 = arith.constant 17 : index
    %get3A_1077 = memref.load %arg3[%get3A_1074, %get3A_1075, %get3A_1076] : memref<1x1x32xf32, #tpu.memory_space<smem>>
    %broadcast_in_dim3A_1078 = vector.broadcast %get3A_1077 : f32 to vector<112x128xf32>
    %select_n3A_1079 = arith.select %gt3A_1072, %broadcast_in_dim3A_1078, %select_n3A_1020 : vector<112x128xi1>, vector<112x128xf32>
    %broadcast_in_dim3A_1080 = vector.broadcast %get3A_1032 : f32 to vector<112x128xf32>
    %select_n3A_1081 = arith.select %gt3A_1072, %broadcast_in_dim3A_1080, %select_n3A_1022 : vector<112x128xi1>, vector<112x128xf32>
    %broadcast_in_dim3A_1082 = vector.broadcast %get3A_1036 : f32 to vector<112x128xf32>
    %select_n3A_1083 = arith.select %gt3A_1072, %broadcast_in_dim3A_1082, %select_n3A_1024 : vector<112x128xi1>, vector<112x128xf32>
    %broadcast_in_dim3A_1084 = vector.broadcast %get3A_1040 : f32 to vector<112x128xf32>
    %select_n3A_1085 = arith.select %gt3A_1072, %broadcast_in_dim3A_1084, %select_n3A_1026 : vector<112x128xi1>, vector<112x128xf32>
    %broadcast_in_dim3A_1086 = vector.broadcast %get3A_1044 : f32 to vector<112x128xf32>
    %select_n3A_1087 = arith.select %gt3A_1072, %broadcast_in_dim3A_1086, %select_n3A_1028 : vector<112x128xi1>, vector<112x128xf32>
    %get3A_1088 = arith.constant 0 : index
    %get3A_1089 = arith.constant 0 : index
    %get3A_1090 = arith.constant 72 : index
    %get3A_1091 = memref.load %arg2[%get3A_1088, %get3A_1089, %get3A_1090] : memref<1x1x128xf32, #tpu.memory_space<smem>>
    %get3A_1092 = arith.constant 0 : index
    %get3A_1093 = arith.constant 0 : index
    %get3A_1094 = arith.constant 73 : index
    %get3A_1095 = memref.load %arg2[%get3A_1092, %get3A_1093, %get3A_1094] : memref<1x1x128xf32, #tpu.memory_space<smem>>
    %get3A_1096 = arith.constant 0 : index
    %get3A_1097 = arith.constant 0 : index
    %get3A_1098 = arith.constant 74 : index
    %get3A_1099 = memref.load %arg2[%get3A_1096, %get3A_1097, %get3A_1098] : memref<1x1x128xf32, #tpu.memory_space<smem>>
    %get3A_1100 = arith.constant 0 : index
    %get3A_1101 = arith.constant 0 : index
    %get3A_1102 = arith.constant 75 : index
    %get3A_1103 = memref.load %arg2[%get3A_1100, %get3A_1101, %get3A_1102] : memref<1x1x128xf32, #tpu.memory_space<smem>>
    %sub3A_1104 = arith.subf %get3A_1099, %get3A_1091 : f32
    %sub3A_1105 = arith.subf %get3A_1103, %get3A_1095 : f32
    %mul3A_1106 = arith.mulf %sub3A_1104, %sub3A_1105 : f32
    %min3A_1107 = vector.broadcast %get3A_1099 : f32 to vector<112x128xf32>
    %min3A_1108 = arith.minimumf %get3A_15, %min3A_1107 : vector<112x128xf32>
    %max3A_1109 = vector.broadcast %get3A_1091 : f32 to vector<112x128xf32>
    %max3A_1110 = arith.maximumf %get3A_5, %max3A_1109 : vector<112x128xf32>
    %sub3A_1111 = arith.subf %min3A_1108, %max3A_1110 : vector<112x128xf32>
    %jit3A_1112 = arith.constant 0.000000e+00 : f32
    %max3A_1113 = vector.broadcast %jit3A_1112 : f32 to vector<112x128xf32>
    %max3A_1114 = arith.maximumf %max3A_1113, %sub3A_1111 : vector<112x128xf32>
    %min3A_1115 = vector.broadcast %get3A_1103 : f32 to vector<112x128xf32>
    %min3A_1116 = arith.minimumf %get3A_20, %min3A_1115 : vector<112x128xf32>
    %max3A_1117 = vector.broadcast %get3A_1095 : f32 to vector<112x128xf32>
    %max3A_1118 = arith.maximumf %get3A_10, %max3A_1117 : vector<112x128xf32>
    %sub3A_1119 = arith.subf %min3A_1116, %max3A_1118 : vector<112x128xf32>
    %jit3A_1120 = arith.constant 0.000000e+00 : f32
    %max3A_1121 = vector.broadcast %jit3A_1120 : f32 to vector<112x128xf32>
    %max3A_1122 = arith.maximumf %max3A_1121, %sub3A_1119 : vector<112x128xf32>
    %mul3A_1123 = arith.mulf %max3A_1114, %max3A_1122 : vector<112x128xf32>
    %add3A_1124 = vector.broadcast %mul3A_1106 : f32 to vector<112x128xf32>
    %add3A_1125 = arith.addf %mul3A, %add3A_1124 : vector<112x128xf32>
    %sub3A_1126 = arith.subf %add3A_1125, %mul3A_1123 : vector<112x128xf32>
    %max3A_1127 = arith.constant 9.99999971E-10 : f32
    %max3A_1128 = vector.broadcast %max3A_1127 : f32 to vector<112x128xf32>
    %max3A_1129 = arith.maximumf %sub3A_1126, %max3A_1128 : vector<112x128xf32>
    %div3A_1130 = arith.divf %mul3A_1123, %max3A_1129 : vector<112x128xf32>
    %gt3A_1131 = arith.cmpf ogt, %div3A_1130, %select_n3A_1073 : vector<112x128xf32>
    %select_n3A_1132 = arith.select %gt3A_1131, %div3A_1130, %select_n3A_1073 : vector<112x128xi1>, vector<112x128xf32>
    %get3A_1133 = arith.constant 0 : index
    %get3A_1134 = arith.constant 0 : index
    %get3A_1135 = arith.constant 18 : index
    %get3A_1136 = memref.load %arg3[%get3A_1133, %get3A_1134, %get3A_1135] : memref<1x1x32xf32, #tpu.memory_space<smem>>
    %broadcast_in_dim3A_1137 = vector.broadcast %get3A_1136 : f32 to vector<112x128xf32>
    %select_n3A_1138 = arith.select %gt3A_1131, %broadcast_in_dim3A_1137, %select_n3A_1079 : vector<112x128xi1>, vector<112x128xf32>
    %broadcast_in_dim3A_1139 = vector.broadcast %get3A_1091 : f32 to vector<112x128xf32>
    %select_n3A_1140 = arith.select %gt3A_1131, %broadcast_in_dim3A_1139, %select_n3A_1081 : vector<112x128xi1>, vector<112x128xf32>
    %broadcast_in_dim3A_1141 = vector.broadcast %get3A_1095 : f32 to vector<112x128xf32>
    %select_n3A_1142 = arith.select %gt3A_1131, %broadcast_in_dim3A_1141, %select_n3A_1083 : vector<112x128xi1>, vector<112x128xf32>
    %broadcast_in_dim3A_1143 = vector.broadcast %get3A_1099 : f32 to vector<112x128xf32>
    %select_n3A_1144 = arith.select %gt3A_1131, %broadcast_in_dim3A_1143, %select_n3A_1085 : vector<112x128xi1>, vector<112x128xf32>
    %broadcast_in_dim3A_1145 = vector.broadcast %get3A_1103 : f32 to vector<112x128xf32>
    %select_n3A_1146 = arith.select %gt3A_1131, %broadcast_in_dim3A_1145, %select_n3A_1087 : vector<112x128xi1>, vector<112x128xf32>
    %get3A_1147 = arith.constant 0 : index
    %get3A_1148 = arith.constant 0 : index
    %get3A_1149 = arith.constant 76 : index
    %get3A_1150 = memref.load %arg2[%get3A_1147, %get3A_1148, %get3A_1149] : memref<1x1x128xf32, #tpu.memory_space<smem>>
    %get3A_1151 = arith.constant 0 : index
    %get3A_1152 = arith.constant 0 : index
    %get3A_1153 = arith.constant 77 : index
    %get3A_1154 = memref.load %arg2[%get3A_1151, %get3A_1152, %get3A_1153] : memref<1x1x128xf32, #tpu.memory_space<smem>>
    %get3A_1155 = arith.constant 0 : index
    %get3A_1156 = arith.constant 0 : index
    %get3A_1157 = arith.constant 78 : index
    %get3A_1158 = memref.load %arg2[%get3A_1155, %get3A_1156, %get3A_1157] : memref<1x1x128xf32, #tpu.memory_space<smem>>
    %get3A_1159 = arith.constant 0 : index
    %get3A_1160 = arith.constant 0 : index
    %get3A_1161 = arith.constant 79 : index
    %get3A_1162 = memref.load %arg2[%get3A_1159, %get3A_1160, %get3A_1161] : memref<1x1x128xf32, #tpu.memory_space<smem>>
    %sub3A_1163 = arith.subf %get3A_1158, %get3A_1150 : f32
    %sub3A_1164 = arith.subf %get3A_1162, %get3A_1154 : f32
    %mul3A_1165 = arith.mulf %sub3A_1163, %sub3A_1164 : f32
    %min3A_1166 = vector.broadcast %get3A_1158 : f32 to vector<112x128xf32>
    %min3A_1167 = arith.minimumf %get3A_15, %min3A_1166 : vector<112x128xf32>
    %max3A_1168 = vector.broadcast %get3A_1150 : f32 to vector<112x128xf32>
    %max3A_1169 = arith.maximumf %get3A_5, %max3A_1168 : vector<112x128xf32>
    %sub3A_1170 = arith.subf %min3A_1167, %max3A_1169 : vector<112x128xf32>
    %jit3A_1171 = arith.constant 0.000000e+00 : f32
    %max3A_1172 = vector.broadcast %jit3A_1171 : f32 to vector<112x128xf32>
    %max3A_1173 = arith.maximumf %max3A_1172, %sub3A_1170 : vector<112x128xf32>
    %min3A_1174 = vector.broadcast %get3A_1162 : f32 to vector<112x128xf32>
    %min3A_1175 = arith.minimumf %get3A_20, %min3A_1174 : vector<112x128xf32>
    %max3A_1176 = vector.broadcast %get3A_1154 : f32 to vector<112x128xf32>
    %max3A_1177 = arith.maximumf %get3A_10, %max3A_1176 : vector<112x128xf32>
    %sub3A_1178 = arith.subf %min3A_1175, %max3A_1177 : vector<112x128xf32>
    %jit3A_1179 = arith.constant 0.000000e+00 : f32
    %max3A_1180 = vector.broadcast %jit3A_1179 : f32 to vector<112x128xf32>
    %max3A_1181 = arith.maximumf %max3A_1180, %sub3A_1178 : vector<112x128xf32>
    %mul3A_1182 = arith.mulf %max3A_1173, %max3A_1181 : vector<112x128xf32>
    %add3A_1183 = vector.broadcast %mul3A_1165 : f32 to vector<112x128xf32>
    %add3A_1184 = arith.addf %mul3A, %add3A_1183 : vector<112x128xf32>
    %sub3A_1185 = arith.subf %add3A_1184, %mul3A_1182 : vector<112x128xf32>
    %max3A_1186 = arith.constant 9.99999971E-10 : f32
    %max3A_1187 = vector.broadcast %max3A_1186 : f32 to vector<112x128xf32>
    %max3A_1188 = arith.maximumf %sub3A_1185, %max3A_1187 : vector<112x128xf32>
    %div3A_1189 = arith.divf %mul3A_1182, %max3A_1188 : vector<112x128xf32>
    %gt3A_1190 = arith.cmpf ogt, %div3A_1189, %select_n3A_1132 : vector<112x128xf32>
    %select_n3A_1191 = arith.select %gt3A_1190, %div3A_1189, %select_n3A_1132 : vector<112x128xi1>, vector<112x128xf32>
    %get3A_1192 = arith.constant 0 : index
    %get3A_1193 = arith.constant 0 : index
    %get3A_1194 = arith.constant 19 : index
    %get3A_1195 = memref.load %arg3[%get3A_1192, %get3A_1193, %get3A_1194] : memref<1x1x32xf32, #tpu.memory_space<smem>>
    %broadcast_in_dim3A_1196 = vector.broadcast %get3A_1195 : f32 to vector<112x128xf32>
    %select_n3A_1197 = arith.select %gt3A_1190, %broadcast_in_dim3A_1196, %select_n3A_1138 : vector<112x128xi1>, vector<112x128xf32>
    %broadcast_in_dim3A_1198 = vector.broadcast %get3A_1150 : f32 to vector<112x128xf32>
    %select_n3A_1199 = arith.select %gt3A_1190, %broadcast_in_dim3A_1198, %select_n3A_1140 : vector<112x128xi1>, vector<112x128xf32>
    %broadcast_in_dim3A_1200 = vector.broadcast %get3A_1154 : f32 to vector<112x128xf32>
    %select_n3A_1201 = arith.select %gt3A_1190, %broadcast_in_dim3A_1200, %select_n3A_1142 : vector<112x128xi1>, vector<112x128xf32>
    %broadcast_in_dim3A_1202 = vector.broadcast %get3A_1158 : f32 to vector<112x128xf32>
    %select_n3A_1203 = arith.select %gt3A_1190, %broadcast_in_dim3A_1202, %select_n3A_1144 : vector<112x128xi1>, vector<112x128xf32>
    %broadcast_in_dim3A_1204 = vector.broadcast %get3A_1162 : f32 to vector<112x128xf32>
    %select_n3A_1205 = arith.select %gt3A_1190, %broadcast_in_dim3A_1204, %select_n3A_1146 : vector<112x128xi1>, vector<112x128xf32>
    %get3A_1206 = arith.constant 0 : index
    %get3A_1207 = arith.constant 0 : index
    %get3A_1208 = arith.constant 80 : index
    %get3A_1209 = memref.load %arg2[%get3A_1206, %get3A_1207, %get3A_1208] : memref<1x1x128xf32, #tpu.memory_space<smem>>
    %get3A_1210 = arith.constant 0 : index
    %get3A_1211 = arith.constant 0 : index
    %get3A_1212 = arith.constant 81 : index
    %get3A_1213 = memref.load %arg2[%get3A_1210, %get3A_1211, %get3A_1212] : memref<1x1x128xf32, #tpu.memory_space<smem>>
    %get3A_1214 = arith.constant 0 : index
    %get3A_1215 = arith.constant 0 : index
    %get3A_1216 = arith.constant 82 : index
    %get3A_1217 = memref.load %arg2[%get3A_1214, %get3A_1215, %get3A_1216] : memref<1x1x128xf32, #tpu.memory_space<smem>>
    %get3A_1218 = arith.constant 0 : index
    %get3A_1219 = arith.constant 0 : index
    %get3A_1220 = arith.constant 83 : index
    %get3A_1221 = memref.load %arg2[%get3A_1218, %get3A_1219, %get3A_1220] : memref<1x1x128xf32, #tpu.memory_space<smem>>
    %sub3A_1222 = arith.subf %get3A_1217, %get3A_1209 : f32
    %sub3A_1223 = arith.subf %get3A_1221, %get3A_1213 : f32
    %mul3A_1224 = arith.mulf %sub3A_1222, %sub3A_1223 : f32
    %min3A_1225 = vector.broadcast %get3A_1217 : f32 to vector<112x128xf32>
    %min3A_1226 = arith.minimumf %get3A_15, %min3A_1225 : vector<112x128xf32>
    %max3A_1227 = vector.broadcast %get3A_1209 : f32 to vector<112x128xf32>
    %max3A_1228 = arith.maximumf %get3A_5, %max3A_1227 : vector<112x128xf32>
    %sub3A_1229 = arith.subf %min3A_1226, %max3A_1228 : vector<112x128xf32>
    %jit3A_1230 = arith.constant 0.000000e+00 : f32
    %max3A_1231 = vector.broadcast %jit3A_1230 : f32 to vector<112x128xf32>
    %max3A_1232 = arith.maximumf %max3A_1231, %sub3A_1229 : vector<112x128xf32>
    %min3A_1233 = vector.broadcast %get3A_1221 : f32 to vector<112x128xf32>
    %min3A_1234 = arith.minimumf %get3A_20, %min3A_1233 : vector<112x128xf32>
    %max3A_1235 = vector.broadcast %get3A_1213 : f32 to vector<112x128xf32>
    %max3A_1236 = arith.maximumf %get3A_10, %max3A_1235 : vector<112x128xf32>
    %sub3A_1237 = arith.subf %min3A_1234, %max3A_1236 : vector<112x128xf32>
    %jit3A_1238 = arith.constant 0.000000e+00 : f32
    %max3A_1239 = vector.broadcast %jit3A_1238 : f32 to vector<112x128xf32>
    %max3A_1240 = arith.maximumf %max3A_1239, %sub3A_1237 : vector<112x128xf32>
    %mul3A_1241 = arith.mulf %max3A_1232, %max3A_1240 : vector<112x128xf32>
    %add3A_1242 = vector.broadcast %mul3A_1224 : f32 to vector<112x128xf32>
    %add3A_1243 = arith.addf %mul3A, %add3A_1242 : vector<112x128xf32>
    %sub3A_1244 = arith.subf %add3A_1243, %mul3A_1241 : vector<112x128xf32>
    %max3A_1245 = arith.constant 9.99999971E-10 : f32
    %max3A_1246 = vector.broadcast %max3A_1245 : f32 to vector<112x128xf32>
    %max3A_1247 = arith.maximumf %sub3A_1244, %max3A_1246 : vector<112x128xf32>
    %div3A_1248 = arith.divf %mul3A_1241, %max3A_1247 : vector<112x128xf32>
    %gt3A_1249 = arith.cmpf ogt, %div3A_1248, %select_n3A_1191 : vector<112x128xf32>
    %select_n3A_1250 = arith.select %gt3A_1249, %div3A_1248, %select_n3A_1191 : vector<112x128xi1>, vector<112x128xf32>
    %get3A_1251 = arith.constant 0 : index
    %get3A_1252 = arith.constant 0 : index
    %get3A_1253 = arith.constant 20 : index
    %get3A_1254 = memref.load %arg3[%get3A_1251, %get3A_1252, %get3A_1253] : memref<1x1x32xf32, #tpu.memory_space<smem>>
    %broadcast_in_dim3A_1255 = vector.broadcast %get3A_1254 : f32 to vector<112x128xf32>
    %select_n3A_1256 = arith.select %gt3A_1249, %broadcast_in_dim3A_1255, %select_n3A_1197 : vector<112x128xi1>, vector<112x128xf32>
    %broadcast_in_dim3A_1257 = vector.broadcast %get3A_1209 : f32 to vector<112x128xf32>
    %select_n3A_1258 = arith.select %gt3A_1249, %broadcast_in_dim3A_1257, %select_n3A_1199 : vector<112x128xi1>, vector<112x128xf32>
    %broadcast_in_dim3A_1259 = vector.broadcast %get3A_1213 : f32 to vector<112x128xf32>
    %select_n3A_1260 = arith.select %gt3A_1249, %broadcast_in_dim3A_1259, %select_n3A_1201 : vector<112x128xi1>, vector<112x128xf32>
    %broadcast_in_dim3A_1261 = vector.broadcast %get3A_1217 : f32 to vector<112x128xf32>
    %select_n3A_1262 = arith.select %gt3A_1249, %broadcast_in_dim3A_1261, %select_n3A_1203 : vector<112x128xi1>, vector<112x128xf32>
    %broadcast_in_dim3A_1263 = vector.broadcast %get3A_1221 : f32 to vector<112x128xf32>
    %select_n3A_1264 = arith.select %gt3A_1249, %broadcast_in_dim3A_1263, %select_n3A_1205 : vector<112x128xi1>, vector<112x128xf32>
    %get3A_1265 = arith.constant 0 : index
    %get3A_1266 = arith.constant 0 : index
    %get3A_1267 = arith.constant 84 : index
    %get3A_1268 = memref.load %arg2[%get3A_1265, %get3A_1266, %get3A_1267] : memref<1x1x128xf32, #tpu.memory_space<smem>>
    %get3A_1269 = arith.constant 0 : index
    %get3A_1270 = arith.constant 0 : index
    %get3A_1271 = arith.constant 85 : index
    %get3A_1272 = memref.load %arg2[%get3A_1269, %get3A_1270, %get3A_1271] : memref<1x1x128xf32, #tpu.memory_space<smem>>
    %get3A_1273 = arith.constant 0 : index
    %get3A_1274 = arith.constant 0 : index
    %get3A_1275 = arith.constant 86 : index
    %get3A_1276 = memref.load %arg2[%get3A_1273, %get3A_1274, %get3A_1275] : memref<1x1x128xf32, #tpu.memory_space<smem>>
    %get3A_1277 = arith.constant 0 : index
    %get3A_1278 = arith.constant 0 : index
    %get3A_1279 = arith.constant 87 : index
    %get3A_1280 = memref.load %arg2[%get3A_1277, %get3A_1278, %get3A_1279] : memref<1x1x128xf32, #tpu.memory_space<smem>>
    %sub3A_1281 = arith.subf %get3A_1276, %get3A_1268 : f32
    %sub3A_1282 = arith.subf %get3A_1280, %get3A_1272 : f32
    %mul3A_1283 = arith.mulf %sub3A_1281, %sub3A_1282 : f32
    %min3A_1284 = vector.broadcast %get3A_1276 : f32 to vector<112x128xf32>
    %min3A_1285 = arith.minimumf %get3A_15, %min3A_1284 : vector<112x128xf32>
    %max3A_1286 = vector.broadcast %get3A_1268 : f32 to vector<112x128xf32>
    %max3A_1287 = arith.maximumf %get3A_5, %max3A_1286 : vector<112x128xf32>
    %sub3A_1288 = arith.subf %min3A_1285, %max3A_1287 : vector<112x128xf32>
    %jit3A_1289 = arith.constant 0.000000e+00 : f32
    %max3A_1290 = vector.broadcast %jit3A_1289 : f32 to vector<112x128xf32>
    %max3A_1291 = arith.maximumf %max3A_1290, %sub3A_1288 : vector<112x128xf32>
    %min3A_1292 = vector.broadcast %get3A_1280 : f32 to vector<112x128xf32>
    %min3A_1293 = arith.minimumf %get3A_20, %min3A_1292 : vector<112x128xf32>
    %max3A_1294 = vector.broadcast %get3A_1272 : f32 to vector<112x128xf32>
    %max3A_1295 = arith.maximumf %get3A_10, %max3A_1294 : vector<112x128xf32>
    %sub3A_1296 = arith.subf %min3A_1293, %max3A_1295 : vector<112x128xf32>
    %jit3A_1297 = arith.constant 0.000000e+00 : f32
    %max3A_1298 = vector.broadcast %jit3A_1297 : f32 to vector<112x128xf32>
    %max3A_1299 = arith.maximumf %max3A_1298, %sub3A_1296 : vector<112x128xf32>
    %mul3A_1300 = arith.mulf %max3A_1291, %max3A_1299 : vector<112x128xf32>
    %add3A_1301 = vector.broadcast %mul3A_1283 : f32 to vector<112x128xf32>
    %add3A_1302 = arith.addf %mul3A, %add3A_1301 : vector<112x128xf32>
    %sub3A_1303 = arith.subf %add3A_1302, %mul3A_1300 : vector<112x128xf32>
    %max3A_1304 = arith.constant 9.99999971E-10 : f32
    %max3A_1305 = vector.broadcast %max3A_1304 : f32 to vector<112x128xf32>
    %max3A_1306 = arith.maximumf %sub3A_1303, %max3A_1305 : vector<112x128xf32>
    %div3A_1307 = arith.divf %mul3A_1300, %max3A_1306 : vector<112x128xf32>
    %gt3A_1308 = arith.cmpf ogt, %div3A_1307, %select_n3A_1250 : vector<112x128xf32>
    %select_n3A_1309 = arith.select %gt3A_1308, %div3A_1307, %select_n3A_1250 : vector<112x128xi1>, vector<112x128xf32>
    %get3A_1310 = arith.constant 0 : index
    %get3A_1311 = arith.constant 0 : index
    %get3A_1312 = arith.constant 21 : index
    %get3A_1313 = memref.load %arg3[%get3A_1310, %get3A_1311, %get3A_1312] : memref<1x1x32xf32, #tpu.memory_space<smem>>
    %broadcast_in_dim3A_1314 = vector.broadcast %get3A_1313 : f32 to vector<112x128xf32>
    %select_n3A_1315 = arith.select %gt3A_1308, %broadcast_in_dim3A_1314, %select_n3A_1256 : vector<112x128xi1>, vector<112x128xf32>
    %broadcast_in_dim3A_1316 = vector.broadcast %get3A_1268 : f32 to vector<112x128xf32>
    %select_n3A_1317 = arith.select %gt3A_1308, %broadcast_in_dim3A_1316, %select_n3A_1258 : vector<112x128xi1>, vector<112x128xf32>
    %broadcast_in_dim3A_1318 = vector.broadcast %get3A_1272 : f32 to vector<112x128xf32>
    %select_n3A_1319 = arith.select %gt3A_1308, %broadcast_in_dim3A_1318, %select_n3A_1260 : vector<112x128xi1>, vector<112x128xf32>
    %broadcast_in_dim3A_1320 = vector.broadcast %get3A_1276 : f32 to vector<112x128xf32>
    %select_n3A_1321 = arith.select %gt3A_1308, %broadcast_in_dim3A_1320, %select_n3A_1262 : vector<112x128xi1>, vector<112x128xf32>
    %broadcast_in_dim3A_1322 = vector.broadcast %get3A_1280 : f32 to vector<112x128xf32>
    %select_n3A_1323 = arith.select %gt3A_1308, %broadcast_in_dim3A_1322, %select_n3A_1264 : vector<112x128xi1>, vector<112x128xf32>
    %get3A_1324 = arith.constant 0 : index
    %get3A_1325 = arith.constant 0 : index
    %get3A_1326 = arith.constant 88 : index
    %get3A_1327 = memref.load %arg2[%get3A_1324, %get3A_1325, %get3A_1326] : memref<1x1x128xf32, #tpu.memory_space<smem>>
    %get3A_1328 = arith.constant 0 : index
    %get3A_1329 = arith.constant 0 : index
    %get3A_1330 = arith.constant 89 : index
    %get3A_1331 = memref.load %arg2[%get3A_1328, %get3A_1329, %get3A_1330] : memref<1x1x128xf32, #tpu.memory_space<smem>>
    %get3A_1332 = arith.constant 0 : index
    %get3A_1333 = arith.constant 0 : index
    %get3A_1334 = arith.constant 90 : index
    %get3A_1335 = memref.load %arg2[%get3A_1332, %get3A_1333, %get3A_1334] : memref<1x1x128xf32, #tpu.memory_space<smem>>
    %get3A_1336 = arith.constant 0 : index
    %get3A_1337 = arith.constant 0 : index
    %get3A_1338 = arith.constant 91 : index
    %get3A_1339 = memref.load %arg2[%get3A_1336, %get3A_1337, %get3A_1338] : memref<1x1x128xf32, #tpu.memory_space<smem>>
    %sub3A_1340 = arith.subf %get3A_1335, %get3A_1327 : f32
    %sub3A_1341 = arith.subf %get3A_1339, %get3A_1331 : f32
    %mul3A_1342 = arith.mulf %sub3A_1340, %sub3A_1341 : f32
    %min3A_1343 = vector.broadcast %get3A_1335 : f32 to vector<112x128xf32>
    %min3A_1344 = arith.minimumf %get3A_15, %min3A_1343 : vector<112x128xf32>
    %max3A_1345 = vector.broadcast %get3A_1327 : f32 to vector<112x128xf32>
    %max3A_1346 = arith.maximumf %get3A_5, %max3A_1345 : vector<112x128xf32>
    %sub3A_1347 = arith.subf %min3A_1344, %max3A_1346 : vector<112x128xf32>
    %jit3A_1348 = arith.constant 0.000000e+00 : f32
    %max3A_1349 = vector.broadcast %jit3A_1348 : f32 to vector<112x128xf32>
    %max3A_1350 = arith.maximumf %max3A_1349, %sub3A_1347 : vector<112x128xf32>
    %min3A_1351 = vector.broadcast %get3A_1339 : f32 to vector<112x128xf32>
    %min3A_1352 = arith.minimumf %get3A_20, %min3A_1351 : vector<112x128xf32>
    %max3A_1353 = vector.broadcast %get3A_1331 : f32 to vector<112x128xf32>
    %max3A_1354 = arith.maximumf %get3A_10, %max3A_1353 : vector<112x128xf32>
    %sub3A_1355 = arith.subf %min3A_1352, %max3A_1354 : vector<112x128xf32>
    %jit3A_1356 = arith.constant 0.000000e+00 : f32
    %max3A_1357 = vector.broadcast %jit3A_1356 : f32 to vector<112x128xf32>
    %max3A_1358 = arith.maximumf %max3A_1357, %sub3A_1355 : vector<112x128xf32>
    %mul3A_1359 = arith.mulf %max3A_1350, %max3A_1358 : vector<112x128xf32>
    %add3A_1360 = vector.broadcast %mul3A_1342 : f32 to vector<112x128xf32>
    %add3A_1361 = arith.addf %mul3A, %add3A_1360 : vector<112x128xf32>
    %sub3A_1362 = arith.subf %add3A_1361, %mul3A_1359 : vector<112x128xf32>
    %max3A_1363 = arith.constant 9.99999971E-10 : f32
    %max3A_1364 = vector.broadcast %max3A_1363 : f32 to vector<112x128xf32>
    %max3A_1365 = arith.maximumf %sub3A_1362, %max3A_1364 : vector<112x128xf32>
    %div3A_1366 = arith.divf %mul3A_1359, %max3A_1365 : vector<112x128xf32>
    %gt3A_1367 = arith.cmpf ogt, %div3A_1366, %select_n3A_1309 : vector<112x128xf32>
    %select_n3A_1368 = arith.select %gt3A_1367, %div3A_1366, %select_n3A_1309 : vector<112x128xi1>, vector<112x128xf32>
    %get3A_1369 = arith.constant 0 : index
    %get3A_1370 = arith.constant 0 : index
    %get3A_1371 = arith.constant 22 : index
    %get3A_1372 = memref.load %arg3[%get3A_1369, %get3A_1370, %get3A_1371] : memref<1x1x32xf32, #tpu.memory_space<smem>>
    %broadcast_in_dim3A_1373 = vector.broadcast %get3A_1372 : f32 to vector<112x128xf32>
    %select_n3A_1374 = arith.select %gt3A_1367, %broadcast_in_dim3A_1373, %select_n3A_1315 : vector<112x128xi1>, vector<112x128xf32>
    %broadcast_in_dim3A_1375 = vector.broadcast %get3A_1327 : f32 to vector<112x128xf32>
    %select_n3A_1376 = arith.select %gt3A_1367, %broadcast_in_dim3A_1375, %select_n3A_1317 : vector<112x128xi1>, vector<112x128xf32>
    %broadcast_in_dim3A_1377 = vector.broadcast %get3A_1331 : f32 to vector<112x128xf32>
    %select_n3A_1378 = arith.select %gt3A_1367, %broadcast_in_dim3A_1377, %select_n3A_1319 : vector<112x128xi1>, vector<112x128xf32>
    %broadcast_in_dim3A_1379 = vector.broadcast %get3A_1335 : f32 to vector<112x128xf32>
    %select_n3A_1380 = arith.select %gt3A_1367, %broadcast_in_dim3A_1379, %select_n3A_1321 : vector<112x128xi1>, vector<112x128xf32>
    %broadcast_in_dim3A_1381 = vector.broadcast %get3A_1339 : f32 to vector<112x128xf32>
    %select_n3A_1382 = arith.select %gt3A_1367, %broadcast_in_dim3A_1381, %select_n3A_1323 : vector<112x128xi1>, vector<112x128xf32>
    %get3A_1383 = arith.constant 0 : index
    %get3A_1384 = arith.constant 0 : index
    %get3A_1385 = arith.constant 92 : index
    %get3A_1386 = memref.load %arg2[%get3A_1383, %get3A_1384, %get3A_1385] : memref<1x1x128xf32, #tpu.memory_space<smem>>
    %get3A_1387 = arith.constant 0 : index
    %get3A_1388 = arith.constant 0 : index
    %get3A_1389 = arith.constant 93 : index
    %get3A_1390 = memref.load %arg2[%get3A_1387, %get3A_1388, %get3A_1389] : memref<1x1x128xf32, #tpu.memory_space<smem>>
    %get3A_1391 = arith.constant 0 : index
    %get3A_1392 = arith.constant 0 : index
    %get3A_1393 = arith.constant 94 : index
    %get3A_1394 = memref.load %arg2[%get3A_1391, %get3A_1392, %get3A_1393] : memref<1x1x128xf32, #tpu.memory_space<smem>>
    %get3A_1395 = arith.constant 0 : index
    %get3A_1396 = arith.constant 0 : index
    %get3A_1397 = arith.constant 95 : index
    %get3A_1398 = memref.load %arg2[%get3A_1395, %get3A_1396, %get3A_1397] : memref<1x1x128xf32, #tpu.memory_space<smem>>
    %sub3A_1399 = arith.subf %get3A_1394, %get3A_1386 : f32
    %sub3A_1400 = arith.subf %get3A_1398, %get3A_1390 : f32
    %mul3A_1401 = arith.mulf %sub3A_1399, %sub3A_1400 : f32
    %min3A_1402 = vector.broadcast %get3A_1394 : f32 to vector<112x128xf32>
    %min3A_1403 = arith.minimumf %get3A_15, %min3A_1402 : vector<112x128xf32>
    %max3A_1404 = vector.broadcast %get3A_1386 : f32 to vector<112x128xf32>
    %max3A_1405 = arith.maximumf %get3A_5, %max3A_1404 : vector<112x128xf32>
    %sub3A_1406 = arith.subf %min3A_1403, %max3A_1405 : vector<112x128xf32>
    %jit3A_1407 = arith.constant 0.000000e+00 : f32
    %max3A_1408 = vector.broadcast %jit3A_1407 : f32 to vector<112x128xf32>
    %max3A_1409 = arith.maximumf %max3A_1408, %sub3A_1406 : vector<112x128xf32>
    %min3A_1410 = vector.broadcast %get3A_1398 : f32 to vector<112x128xf32>
    %min3A_1411 = arith.minimumf %get3A_20, %min3A_1410 : vector<112x128xf32>
    %max3A_1412 = vector.broadcast %get3A_1390 : f32 to vector<112x128xf32>
    %max3A_1413 = arith.maximumf %get3A_10, %max3A_1412 : vector<112x128xf32>
    %sub3A_1414 = arith.subf %min3A_1411, %max3A_1413 : vector<112x128xf32>
    %jit3A_1415 = arith.constant 0.000000e+00 : f32
    %max3A_1416 = vector.broadcast %jit3A_1415 : f32 to vector<112x128xf32>
    %max3A_1417 = arith.maximumf %max3A_1416, %sub3A_1414 : vector<112x128xf32>
    %mul3A_1418 = arith.mulf %max3A_1409, %max3A_1417 : vector<112x128xf32>
    %add3A_1419 = vector.broadcast %mul3A_1401 : f32 to vector<112x128xf32>
    %add3A_1420 = arith.addf %mul3A, %add3A_1419 : vector<112x128xf32>
    %sub3A_1421 = arith.subf %add3A_1420, %mul3A_1418 : vector<112x128xf32>
    %max3A_1422 = arith.constant 9.99999971E-10 : f32
    %max3A_1423 = vector.broadcast %max3A_1422 : f32 to vector<112x128xf32>
    %max3A_1424 = arith.maximumf %sub3A_1421, %max3A_1423 : vector<112x128xf32>
    %div3A_1425 = arith.divf %mul3A_1418, %max3A_1424 : vector<112x128xf32>
    %gt3A_1426 = arith.cmpf ogt, %div3A_1425, %select_n3A_1368 : vector<112x128xf32>
    %select_n3A_1427 = arith.select %gt3A_1426, %div3A_1425, %select_n3A_1368 : vector<112x128xi1>, vector<112x128xf32>
    %get3A_1428 = arith.constant 0 : index
    %get3A_1429 = arith.constant 0 : index
    %get3A_1430 = arith.constant 23 : index
    %get3A_1431 = memref.load %arg3[%get3A_1428, %get3A_1429, %get3A_1430] : memref<1x1x32xf32, #tpu.memory_space<smem>>
    %broadcast_in_dim3A_1432 = vector.broadcast %get3A_1431 : f32 to vector<112x128xf32>
    %select_n3A_1433 = arith.select %gt3A_1426, %broadcast_in_dim3A_1432, %select_n3A_1374 : vector<112x128xi1>, vector<112x128xf32>
    %broadcast_in_dim3A_1434 = vector.broadcast %get3A_1386 : f32 to vector<112x128xf32>
    %select_n3A_1435 = arith.select %gt3A_1426, %broadcast_in_dim3A_1434, %select_n3A_1376 : vector<112x128xi1>, vector<112x128xf32>
    %broadcast_in_dim3A_1436 = vector.broadcast %get3A_1390 : f32 to vector<112x128xf32>
    %select_n3A_1437 = arith.select %gt3A_1426, %broadcast_in_dim3A_1436, %select_n3A_1378 : vector<112x128xi1>, vector<112x128xf32>
    %broadcast_in_dim3A_1438 = vector.broadcast %get3A_1394 : f32 to vector<112x128xf32>
    %select_n3A_1439 = arith.select %gt3A_1426, %broadcast_in_dim3A_1438, %select_n3A_1380 : vector<112x128xi1>, vector<112x128xf32>
    %broadcast_in_dim3A_1440 = vector.broadcast %get3A_1398 : f32 to vector<112x128xf32>
    %select_n3A_1441 = arith.select %gt3A_1426, %broadcast_in_dim3A_1440, %select_n3A_1382 : vector<112x128xi1>, vector<112x128xf32>
    %get3A_1442 = arith.constant 0 : index
    %get3A_1443 = arith.constant 0 : index
    %get3A_1444 = arith.constant 96 : index
    %get3A_1445 = memref.load %arg2[%get3A_1442, %get3A_1443, %get3A_1444] : memref<1x1x128xf32, #tpu.memory_space<smem>>
    %get3A_1446 = arith.constant 0 : index
    %get3A_1447 = arith.constant 0 : index
    %get3A_1448 = arith.constant 97 : index
    %get3A_1449 = memref.load %arg2[%get3A_1446, %get3A_1447, %get3A_1448] : memref<1x1x128xf32, #tpu.memory_space<smem>>
    %get3A_1450 = arith.constant 0 : index
    %get3A_1451 = arith.constant 0 : index
    %get3A_1452 = arith.constant 98 : index
    %get3A_1453 = memref.load %arg2[%get3A_1450, %get3A_1451, %get3A_1452] : memref<1x1x128xf32, #tpu.memory_space<smem>>
    %get3A_1454 = arith.constant 0 : index
    %get3A_1455 = arith.constant 0 : index
    %get3A_1456 = arith.constant 99 : index
    %get3A_1457 = memref.load %arg2[%get3A_1454, %get3A_1455, %get3A_1456] : memref<1x1x128xf32, #tpu.memory_space<smem>>
    %sub3A_1458 = arith.subf %get3A_1453, %get3A_1445 : f32
    %sub3A_1459 = arith.subf %get3A_1457, %get3A_1449 : f32
    %mul3A_1460 = arith.mulf %sub3A_1458, %sub3A_1459 : f32
    %min3A_1461 = vector.broadcast %get3A_1453 : f32 to vector<112x128xf32>
    %min3A_1462 = arith.minimumf %get3A_15, %min3A_1461 : vector<112x128xf32>
    %max3A_1463 = vector.broadcast %get3A_1445 : f32 to vector<112x128xf32>
    %max3A_1464 = arith.maximumf %get3A_5, %max3A_1463 : vector<112x128xf32>
    %sub3A_1465 = arith.subf %min3A_1462, %max3A_1464 : vector<112x128xf32>
    %jit3A_1466 = arith.constant 0.000000e+00 : f32
    %max3A_1467 = vector.broadcast %jit3A_1466 : f32 to vector<112x128xf32>
    %max3A_1468 = arith.maximumf %max3A_1467, %sub3A_1465 : vector<112x128xf32>
    %min3A_1469 = vector.broadcast %get3A_1457 : f32 to vector<112x128xf32>
    %min3A_1470 = arith.minimumf %get3A_20, %min3A_1469 : vector<112x128xf32>
    %max3A_1471 = vector.broadcast %get3A_1449 : f32 to vector<112x128xf32>
    %max3A_1472 = arith.maximumf %get3A_10, %max3A_1471 : vector<112x128xf32>
    %sub3A_1473 = arith.subf %min3A_1470, %max3A_1472 : vector<112x128xf32>
    %jit3A_1474 = arith.constant 0.000000e+00 : f32
    %max3A_1475 = vector.broadcast %jit3A_1474 : f32 to vector<112x128xf32>
    %max3A_1476 = arith.maximumf %max3A_1475, %sub3A_1473 : vector<112x128xf32>
    %mul3A_1477 = arith.mulf %max3A_1468, %max3A_1476 : vector<112x128xf32>
    %add3A_1478 = vector.broadcast %mul3A_1460 : f32 to vector<112x128xf32>
    %add3A_1479 = arith.addf %mul3A, %add3A_1478 : vector<112x128xf32>
    %sub3A_1480 = arith.subf %add3A_1479, %mul3A_1477 : vector<112x128xf32>
    %max3A_1481 = arith.constant 9.99999971E-10 : f32
    %max3A_1482 = vector.broadcast %max3A_1481 : f32 to vector<112x128xf32>
    %max3A_1483 = arith.maximumf %sub3A_1480, %max3A_1482 : vector<112x128xf32>
    %div3A_1484 = arith.divf %mul3A_1477, %max3A_1483 : vector<112x128xf32>
    %gt3A_1485 = arith.cmpf ogt, %div3A_1484, %select_n3A_1427 : vector<112x128xf32>
    %select_n3A_1486 = arith.select %gt3A_1485, %div3A_1484, %select_n3A_1427 : vector<112x128xi1>, vector<112x128xf32>
    %get3A_1487 = arith.constant 0 : index
    %get3A_1488 = arith.constant 0 : index
    %get3A_1489 = arith.constant 24 : index
    %get3A_1490 = memref.load %arg3[%get3A_1487, %get3A_1488, %get3A_1489] : memref<1x1x32xf32, #tpu.memory_space<smem>>
    %broadcast_in_dim3A_1491 = vector.broadcast %get3A_1490 : f32 to vector<112x128xf32>
    %select_n3A_1492 = arith.select %gt3A_1485, %broadcast_in_dim3A_1491, %select_n3A_1433 : vector<112x128xi1>, vector<112x128xf32>
    %broadcast_in_dim3A_1493 = vector.broadcast %get3A_1445 : f32 to vector<112x128xf32>
    %select_n3A_1494 = arith.select %gt3A_1485, %broadcast_in_dim3A_1493, %select_n3A_1435 : vector<112x128xi1>, vector<112x128xf32>
    %broadcast_in_dim3A_1495 = vector.broadcast %get3A_1449 : f32 to vector<112x128xf32>
    %select_n3A_1496 = arith.select %gt3A_1485, %broadcast_in_dim3A_1495, %select_n3A_1437 : vector<112x128xi1>, vector<112x128xf32>
    %broadcast_in_dim3A_1497 = vector.broadcast %get3A_1453 : f32 to vector<112x128xf32>
    %select_n3A_1498 = arith.select %gt3A_1485, %broadcast_in_dim3A_1497, %select_n3A_1439 : vector<112x128xi1>, vector<112x128xf32>
    %broadcast_in_dim3A_1499 = vector.broadcast %get3A_1457 : f32 to vector<112x128xf32>
    %select_n3A_1500 = arith.select %gt3A_1485, %broadcast_in_dim3A_1499, %select_n3A_1441 : vector<112x128xi1>, vector<112x128xf32>
    %get3A_1501 = arith.constant 0 : index
    %get3A_1502 = arith.constant 0 : index
    %get3A_1503 = arith.constant 100 : index
    %get3A_1504 = memref.load %arg2[%get3A_1501, %get3A_1502, %get3A_1503] : memref<1x1x128xf32, #tpu.memory_space<smem>>
    %get3A_1505 = arith.constant 0 : index
    %get3A_1506 = arith.constant 0 : index
    %get3A_1507 = arith.constant 101 : index
    %get3A_1508 = memref.load %arg2[%get3A_1505, %get3A_1506, %get3A_1507] : memref<1x1x128xf32, #tpu.memory_space<smem>>
    %get3A_1509 = arith.constant 0 : index
    %get3A_1510 = arith.constant 0 : index
    %get3A_1511 = arith.constant 102 : index
    %get3A_1512 = memref.load %arg2[%get3A_1509, %get3A_1510, %get3A_1511] : memref<1x1x128xf32, #tpu.memory_space<smem>>
    %get3A_1513 = arith.constant 0 : index
    %get3A_1514 = arith.constant 0 : index
    %get3A_1515 = arith.constant 103 : index
    %get3A_1516 = memref.load %arg2[%get3A_1513, %get3A_1514, %get3A_1515] : memref<1x1x128xf32, #tpu.memory_space<smem>>
    %sub3A_1517 = arith.subf %get3A_1512, %get3A_1504 : f32
    %sub3A_1518 = arith.subf %get3A_1516, %get3A_1508 : f32
    %mul3A_1519 = arith.mulf %sub3A_1517, %sub3A_1518 : f32
    %min3A_1520 = vector.broadcast %get3A_1512 : f32 to vector<112x128xf32>
    %min3A_1521 = arith.minimumf %get3A_15, %min3A_1520 : vector<112x128xf32>
    %max3A_1522 = vector.broadcast %get3A_1504 : f32 to vector<112x128xf32>
    %max3A_1523 = arith.maximumf %get3A_5, %max3A_1522 : vector<112x128xf32>
    %sub3A_1524 = arith.subf %min3A_1521, %max3A_1523 : vector<112x128xf32>
    %jit3A_1525 = arith.constant 0.000000e+00 : f32
    %max3A_1526 = vector.broadcast %jit3A_1525 : f32 to vector<112x128xf32>
    %max3A_1527 = arith.maximumf %max3A_1526, %sub3A_1524 : vector<112x128xf32>
    %min3A_1528 = vector.broadcast %get3A_1516 : f32 to vector<112x128xf32>
    %min3A_1529 = arith.minimumf %get3A_20, %min3A_1528 : vector<112x128xf32>
    %max3A_1530 = vector.broadcast %get3A_1508 : f32 to vector<112x128xf32>
    %max3A_1531 = arith.maximumf %get3A_10, %max3A_1530 : vector<112x128xf32>
    %sub3A_1532 = arith.subf %min3A_1529, %max3A_1531 : vector<112x128xf32>
    %jit3A_1533 = arith.constant 0.000000e+00 : f32
    %max3A_1534 = vector.broadcast %jit3A_1533 : f32 to vector<112x128xf32>
    %max3A_1535 = arith.maximumf %max3A_1534, %sub3A_1532 : vector<112x128xf32>
    %mul3A_1536 = arith.mulf %max3A_1527, %max3A_1535 : vector<112x128xf32>
    %add3A_1537 = vector.broadcast %mul3A_1519 : f32 to vector<112x128xf32>
    %add3A_1538 = arith.addf %mul3A, %add3A_1537 : vector<112x128xf32>
    %sub3A_1539 = arith.subf %add3A_1538, %mul3A_1536 : vector<112x128xf32>
    %max3A_1540 = arith.constant 9.99999971E-10 : f32
    %max3A_1541 = vector.broadcast %max3A_1540 : f32 to vector<112x128xf32>
    %max3A_1542 = arith.maximumf %sub3A_1539, %max3A_1541 : vector<112x128xf32>
    %div3A_1543 = arith.divf %mul3A_1536, %max3A_1542 : vector<112x128xf32>
    %gt3A_1544 = arith.cmpf ogt, %div3A_1543, %select_n3A_1486 : vector<112x128xf32>
    %select_n3A_1545 = arith.select %gt3A_1544, %div3A_1543, %select_n3A_1486 : vector<112x128xi1>, vector<112x128xf32>
    %get3A_1546 = arith.constant 0 : index
    %get3A_1547 = arith.constant 0 : index
    %get3A_1548 = arith.constant 25 : index
    %get3A_1549 = memref.load %arg3[%get3A_1546, %get3A_1547, %get3A_1548] : memref<1x1x32xf32, #tpu.memory_space<smem>>
    %broadcast_in_dim3A_1550 = vector.broadcast %get3A_1549 : f32 to vector<112x128xf32>
    %select_n3A_1551 = arith.select %gt3A_1544, %broadcast_in_dim3A_1550, %select_n3A_1492 : vector<112x128xi1>, vector<112x128xf32>
    %broadcast_in_dim3A_1552 = vector.broadcast %get3A_1504 : f32 to vector<112x128xf32>
    %select_n3A_1553 = arith.select %gt3A_1544, %broadcast_in_dim3A_1552, %select_n3A_1494 : vector<112x128xi1>, vector<112x128xf32>
    %broadcast_in_dim3A_1554 = vector.broadcast %get3A_1508 : f32 to vector<112x128xf32>
    %select_n3A_1555 = arith.select %gt3A_1544, %broadcast_in_dim3A_1554, %select_n3A_1496 : vector<112x128xi1>, vector<112x128xf32>
    %broadcast_in_dim3A_1556 = vector.broadcast %get3A_1512 : f32 to vector<112x128xf32>
    %select_n3A_1557 = arith.select %gt3A_1544, %broadcast_in_dim3A_1556, %select_n3A_1498 : vector<112x128xi1>, vector<112x128xf32>
    %broadcast_in_dim3A_1558 = vector.broadcast %get3A_1516 : f32 to vector<112x128xf32>
    %select_n3A_1559 = arith.select %gt3A_1544, %broadcast_in_dim3A_1558, %select_n3A_1500 : vector<112x128xi1>, vector<112x128xf32>
    %get3A_1560 = arith.constant 0 : index
    %get3A_1561 = arith.constant 0 : index
    %get3A_1562 = arith.constant 104 : index
    %get3A_1563 = memref.load %arg2[%get3A_1560, %get3A_1561, %get3A_1562] : memref<1x1x128xf32, #tpu.memory_space<smem>>
    %get3A_1564 = arith.constant 0 : index
    %get3A_1565 = arith.constant 0 : index
    %get3A_1566 = arith.constant 105 : index
    %get3A_1567 = memref.load %arg2[%get3A_1564, %get3A_1565, %get3A_1566] : memref<1x1x128xf32, #tpu.memory_space<smem>>
    %get3A_1568 = arith.constant 0 : index
    %get3A_1569 = arith.constant 0 : index
    %get3A_1570 = arith.constant 106 : index
    %get3A_1571 = memref.load %arg2[%get3A_1568, %get3A_1569, %get3A_1570] : memref<1x1x128xf32, #tpu.memory_space<smem>>
    %get3A_1572 = arith.constant 0 : index
    %get3A_1573 = arith.constant 0 : index
    %get3A_1574 = arith.constant 107 : index
    %get3A_1575 = memref.load %arg2[%get3A_1572, %get3A_1573, %get3A_1574] : memref<1x1x128xf32, #tpu.memory_space<smem>>
    %sub3A_1576 = arith.subf %get3A_1571, %get3A_1563 : f32
    %sub3A_1577 = arith.subf %get3A_1575, %get3A_1567 : f32
    %mul3A_1578 = arith.mulf %sub3A_1576, %sub3A_1577 : f32
    %min3A_1579 = vector.broadcast %get3A_1571 : f32 to vector<112x128xf32>
    %min3A_1580 = arith.minimumf %get3A_15, %min3A_1579 : vector<112x128xf32>
    %max3A_1581 = vector.broadcast %get3A_1563 : f32 to vector<112x128xf32>
    %max3A_1582 = arith.maximumf %get3A_5, %max3A_1581 : vector<112x128xf32>
    %sub3A_1583 = arith.subf %min3A_1580, %max3A_1582 : vector<112x128xf32>
    %jit3A_1584 = arith.constant 0.000000e+00 : f32
    %max3A_1585 = vector.broadcast %jit3A_1584 : f32 to vector<112x128xf32>
    %max3A_1586 = arith.maximumf %max3A_1585, %sub3A_1583 : vector<112x128xf32>
    %min3A_1587 = vector.broadcast %get3A_1575 : f32 to vector<112x128xf32>
    %min3A_1588 = arith.minimumf %get3A_20, %min3A_1587 : vector<112x128xf32>
    %max3A_1589 = vector.broadcast %get3A_1567 : f32 to vector<112x128xf32>
    %max3A_1590 = arith.maximumf %get3A_10, %max3A_1589 : vector<112x128xf32>
    %sub3A_1591 = arith.subf %min3A_1588, %max3A_1590 : vector<112x128xf32>
    %jit3A_1592 = arith.constant 0.000000e+00 : f32
    %max3A_1593 = vector.broadcast %jit3A_1592 : f32 to vector<112x128xf32>
    %max3A_1594 = arith.maximumf %max3A_1593, %sub3A_1591 : vector<112x128xf32>
    %mul3A_1595 = arith.mulf %max3A_1586, %max3A_1594 : vector<112x128xf32>
    %add3A_1596 = vector.broadcast %mul3A_1578 : f32 to vector<112x128xf32>
    %add3A_1597 = arith.addf %mul3A, %add3A_1596 : vector<112x128xf32>
    %sub3A_1598 = arith.subf %add3A_1597, %mul3A_1595 : vector<112x128xf32>
    %max3A_1599 = arith.constant 9.99999971E-10 : f32
    %max3A_1600 = vector.broadcast %max3A_1599 : f32 to vector<112x128xf32>
    %max3A_1601 = arith.maximumf %sub3A_1598, %max3A_1600 : vector<112x128xf32>
    %div3A_1602 = arith.divf %mul3A_1595, %max3A_1601 : vector<112x128xf32>
    %gt3A_1603 = arith.cmpf ogt, %div3A_1602, %select_n3A_1545 : vector<112x128xf32>
    %select_n3A_1604 = arith.select %gt3A_1603, %div3A_1602, %select_n3A_1545 : vector<112x128xi1>, vector<112x128xf32>
    %get3A_1605 = arith.constant 0 : index
    %get3A_1606 = arith.constant 0 : index
    %get3A_1607 = arith.constant 26 : index
    %get3A_1608 = memref.load %arg3[%get3A_1605, %get3A_1606, %get3A_1607] : memref<1x1x32xf32, #tpu.memory_space<smem>>
    %broadcast_in_dim3A_1609 = vector.broadcast %get3A_1608 : f32 to vector<112x128xf32>
    %select_n3A_1610 = arith.select %gt3A_1603, %broadcast_in_dim3A_1609, %select_n3A_1551 : vector<112x128xi1>, vector<112x128xf32>
    %broadcast_in_dim3A_1611 = vector.broadcast %get3A_1563 : f32 to vector<112x128xf32>
    %select_n3A_1612 = arith.select %gt3A_1603, %broadcast_in_dim3A_1611, %select_n3A_1553 : vector<112x128xi1>, vector<112x128xf32>
    %broadcast_in_dim3A_1613 = vector.broadcast %get3A_1567 : f32 to vector<112x128xf32>
    %select_n3A_1614 = arith.select %gt3A_1603, %broadcast_in_dim3A_1613, %select_n3A_1555 : vector<112x128xi1>, vector<112x128xf32>
    %broadcast_in_dim3A_1615 = vector.broadcast %get3A_1571 : f32 to vector<112x128xf32>
    %select_n3A_1616 = arith.select %gt3A_1603, %broadcast_in_dim3A_1615, %select_n3A_1557 : vector<112x128xi1>, vector<112x128xf32>
    %broadcast_in_dim3A_1617 = vector.broadcast %get3A_1575 : f32 to vector<112x128xf32>
    %select_n3A_1618 = arith.select %gt3A_1603, %broadcast_in_dim3A_1617, %select_n3A_1559 : vector<112x128xi1>, vector<112x128xf32>
    %get3A_1619 = arith.constant 0 : index
    %get3A_1620 = arith.constant 0 : index
    %get3A_1621 = arith.constant 108 : index
    %get3A_1622 = memref.load %arg2[%get3A_1619, %get3A_1620, %get3A_1621] : memref<1x1x128xf32, #tpu.memory_space<smem>>
    %get3A_1623 = arith.constant 0 : index
    %get3A_1624 = arith.constant 0 : index
    %get3A_1625 = arith.constant 109 : index
    %get3A_1626 = memref.load %arg2[%get3A_1623, %get3A_1624, %get3A_1625] : memref<1x1x128xf32, #tpu.memory_space<smem>>
    %get3A_1627 = arith.constant 0 : index
    %get3A_1628 = arith.constant 0 : index
    %get3A_1629 = arith.constant 110 : index
    %get3A_1630 = memref.load %arg2[%get3A_1627, %get3A_1628, %get3A_1629] : memref<1x1x128xf32, #tpu.memory_space<smem>>
    %get3A_1631 = arith.constant 0 : index
    %get3A_1632 = arith.constant 0 : index
    %get3A_1633 = arith.constant 111 : index
    %get3A_1634 = memref.load %arg2[%get3A_1631, %get3A_1632, %get3A_1633] : memref<1x1x128xf32, #tpu.memory_space<smem>>
    %sub3A_1635 = arith.subf %get3A_1630, %get3A_1622 : f32
    %sub3A_1636 = arith.subf %get3A_1634, %get3A_1626 : f32
    %mul3A_1637 = arith.mulf %sub3A_1635, %sub3A_1636 : f32
    %min3A_1638 = vector.broadcast %get3A_1630 : f32 to vector<112x128xf32>
    %min3A_1639 = arith.minimumf %get3A_15, %min3A_1638 : vector<112x128xf32>
    %max3A_1640 = vector.broadcast %get3A_1622 : f32 to vector<112x128xf32>
    %max3A_1641 = arith.maximumf %get3A_5, %max3A_1640 : vector<112x128xf32>
    %sub3A_1642 = arith.subf %min3A_1639, %max3A_1641 : vector<112x128xf32>
    %jit3A_1643 = arith.constant 0.000000e+00 : f32
    %max3A_1644 = vector.broadcast %jit3A_1643 : f32 to vector<112x128xf32>
    %max3A_1645 = arith.maximumf %max3A_1644, %sub3A_1642 : vector<112x128xf32>
    %min3A_1646 = vector.broadcast %get3A_1634 : f32 to vector<112x128xf32>
    %min3A_1647 = arith.minimumf %get3A_20, %min3A_1646 : vector<112x128xf32>
    %max3A_1648 = vector.broadcast %get3A_1626 : f32 to vector<112x128xf32>
    %max3A_1649 = arith.maximumf %get3A_10, %max3A_1648 : vector<112x128xf32>
    %sub3A_1650 = arith.subf %min3A_1647, %max3A_1649 : vector<112x128xf32>
    %jit3A_1651 = arith.constant 0.000000e+00 : f32
    %max3A_1652 = vector.broadcast %jit3A_1651 : f32 to vector<112x128xf32>
    %max3A_1653 = arith.maximumf %max3A_1652, %sub3A_1650 : vector<112x128xf32>
    %mul3A_1654 = arith.mulf %max3A_1645, %max3A_1653 : vector<112x128xf32>
    %add3A_1655 = vector.broadcast %mul3A_1637 : f32 to vector<112x128xf32>
    %add3A_1656 = arith.addf %mul3A, %add3A_1655 : vector<112x128xf32>
    %sub3A_1657 = arith.subf %add3A_1656, %mul3A_1654 : vector<112x128xf32>
    %max3A_1658 = arith.constant 9.99999971E-10 : f32
    %max3A_1659 = vector.broadcast %max3A_1658 : f32 to vector<112x128xf32>
    %max3A_1660 = arith.maximumf %sub3A_1657, %max3A_1659 : vector<112x128xf32>
    %div3A_1661 = arith.divf %mul3A_1654, %max3A_1660 : vector<112x128xf32>
    %gt3A_1662 = arith.cmpf ogt, %div3A_1661, %select_n3A_1604 : vector<112x128xf32>
    %select_n3A_1663 = arith.select %gt3A_1662, %div3A_1661, %select_n3A_1604 : vector<112x128xi1>, vector<112x128xf32>
    %get3A_1664 = arith.constant 0 : index
    %get3A_1665 = arith.constant 0 : index
    %get3A_1666 = arith.constant 27 : index
    %get3A_1667 = memref.load %arg3[%get3A_1664, %get3A_1665, %get3A_1666] : memref<1x1x32xf32, #tpu.memory_space<smem>>
    %broadcast_in_dim3A_1668 = vector.broadcast %get3A_1667 : f32 to vector<112x128xf32>
    %select_n3A_1669 = arith.select %gt3A_1662, %broadcast_in_dim3A_1668, %select_n3A_1610 : vector<112x128xi1>, vector<112x128xf32>
    %broadcast_in_dim3A_1670 = vector.broadcast %get3A_1622 : f32 to vector<112x128xf32>
    %select_n3A_1671 = arith.select %gt3A_1662, %broadcast_in_dim3A_1670, %select_n3A_1612 : vector<112x128xi1>, vector<112x128xf32>
    %broadcast_in_dim3A_1672 = vector.broadcast %get3A_1626 : f32 to vector<112x128xf32>
    %select_n3A_1673 = arith.select %gt3A_1662, %broadcast_in_dim3A_1672, %select_n3A_1614 : vector<112x128xi1>, vector<112x128xf32>
    %broadcast_in_dim3A_1674 = vector.broadcast %get3A_1630 : f32 to vector<112x128xf32>
    %select_n3A_1675 = arith.select %gt3A_1662, %broadcast_in_dim3A_1674, %select_n3A_1616 : vector<112x128xi1>, vector<112x128xf32>
    %broadcast_in_dim3A_1676 = vector.broadcast %get3A_1634 : f32 to vector<112x128xf32>
    %select_n3A_1677 = arith.select %gt3A_1662, %broadcast_in_dim3A_1676, %select_n3A_1618 : vector<112x128xi1>, vector<112x128xf32>
    %get3A_1678 = arith.constant 0 : index
    %get3A_1679 = arith.constant 0 : index
    %get3A_1680 = arith.constant 112 : index
    %get3A_1681 = memref.load %arg2[%get3A_1678, %get3A_1679, %get3A_1680] : memref<1x1x128xf32, #tpu.memory_space<smem>>
    %get3A_1682 = arith.constant 0 : index
    %get3A_1683 = arith.constant 0 : index
    %get3A_1684 = arith.constant 113 : index
    %get3A_1685 = memref.load %arg2[%get3A_1682, %get3A_1683, %get3A_1684] : memref<1x1x128xf32, #tpu.memory_space<smem>>
    %get3A_1686 = arith.constant 0 : index
    %get3A_1687 = arith.constant 0 : index
    %get3A_1688 = arith.constant 114 : index
    %get3A_1689 = memref.load %arg2[%get3A_1686, %get3A_1687, %get3A_1688] : memref<1x1x128xf32, #tpu.memory_space<smem>>
    %get3A_1690 = arith.constant 0 : index
    %get3A_1691 = arith.constant 0 : index
    %get3A_1692 = arith.constant 115 : index
    %get3A_1693 = memref.load %arg2[%get3A_1690, %get3A_1691, %get3A_1692] : memref<1x1x128xf32, #tpu.memory_space<smem>>
    %sub3A_1694 = arith.subf %get3A_1689, %get3A_1681 : f32
    %sub3A_1695 = arith.subf %get3A_1693, %get3A_1685 : f32
    %mul3A_1696 = arith.mulf %sub3A_1694, %sub3A_1695 : f32
    %min3A_1697 = vector.broadcast %get3A_1689 : f32 to vector<112x128xf32>
    %min3A_1698 = arith.minimumf %get3A_15, %min3A_1697 : vector<112x128xf32>
    %max3A_1699 = vector.broadcast %get3A_1681 : f32 to vector<112x128xf32>
    %max3A_1700 = arith.maximumf %get3A_5, %max3A_1699 : vector<112x128xf32>
    %sub3A_1701 = arith.subf %min3A_1698, %max3A_1700 : vector<112x128xf32>
    %jit3A_1702 = arith.constant 0.000000e+00 : f32
    %max3A_1703 = vector.broadcast %jit3A_1702 : f32 to vector<112x128xf32>
    %max3A_1704 = arith.maximumf %max3A_1703, %sub3A_1701 : vector<112x128xf32>
    %min3A_1705 = vector.broadcast %get3A_1693 : f32 to vector<112x128xf32>
    %min3A_1706 = arith.minimumf %get3A_20, %min3A_1705 : vector<112x128xf32>
    %max3A_1707 = vector.broadcast %get3A_1685 : f32 to vector<112x128xf32>
    %max3A_1708 = arith.maximumf %get3A_10, %max3A_1707 : vector<112x128xf32>
    %sub3A_1709 = arith.subf %min3A_1706, %max3A_1708 : vector<112x128xf32>
    %jit3A_1710 = arith.constant 0.000000e+00 : f32
    %max3A_1711 = vector.broadcast %jit3A_1710 : f32 to vector<112x128xf32>
    %max3A_1712 = arith.maximumf %max3A_1711, %sub3A_1709 : vector<112x128xf32>
    %mul3A_1713 = arith.mulf %max3A_1704, %max3A_1712 : vector<112x128xf32>
    %add3A_1714 = vector.broadcast %mul3A_1696 : f32 to vector<112x128xf32>
    %add3A_1715 = arith.addf %mul3A, %add3A_1714 : vector<112x128xf32>
    %sub3A_1716 = arith.subf %add3A_1715, %mul3A_1713 : vector<112x128xf32>
    %max3A_1717 = arith.constant 9.99999971E-10 : f32
    %max3A_1718 = vector.broadcast %max3A_1717 : f32 to vector<112x128xf32>
    %max3A_1719 = arith.maximumf %sub3A_1716, %max3A_1718 : vector<112x128xf32>
    %div3A_1720 = arith.divf %mul3A_1713, %max3A_1719 : vector<112x128xf32>
    %gt3A_1721 = arith.cmpf ogt, %div3A_1720, %select_n3A_1663 : vector<112x128xf32>
    %select_n3A_1722 = arith.select %gt3A_1721, %div3A_1720, %select_n3A_1663 : vector<112x128xi1>, vector<112x128xf32>
    %get3A_1723 = arith.constant 0 : index
    %get3A_1724 = arith.constant 0 : index
    %get3A_1725 = arith.constant 28 : index
    %get3A_1726 = memref.load %arg3[%get3A_1723, %get3A_1724, %get3A_1725] : memref<1x1x32xf32, #tpu.memory_space<smem>>
    %broadcast_in_dim3A_1727 = vector.broadcast %get3A_1726 : f32 to vector<112x128xf32>
    %select_n3A_1728 = arith.select %gt3A_1721, %broadcast_in_dim3A_1727, %select_n3A_1669 : vector<112x128xi1>, vector<112x128xf32>
    %broadcast_in_dim3A_1729 = vector.broadcast %get3A_1681 : f32 to vector<112x128xf32>
    %select_n3A_1730 = arith.select %gt3A_1721, %broadcast_in_dim3A_1729, %select_n3A_1671 : vector<112x128xi1>, vector<112x128xf32>
    %broadcast_in_dim3A_1731 = vector.broadcast %get3A_1685 : f32 to vector<112x128xf32>
    %select_n3A_1732 = arith.select %gt3A_1721, %broadcast_in_dim3A_1731, %select_n3A_1673 : vector<112x128xi1>, vector<112x128xf32>
    %broadcast_in_dim3A_1733 = vector.broadcast %get3A_1689 : f32 to vector<112x128xf32>
    %select_n3A_1734 = arith.select %gt3A_1721, %broadcast_in_dim3A_1733, %select_n3A_1675 : vector<112x128xi1>, vector<112x128xf32>
    %broadcast_in_dim3A_1735 = vector.broadcast %get3A_1693 : f32 to vector<112x128xf32>
    %select_n3A_1736 = arith.select %gt3A_1721, %broadcast_in_dim3A_1735, %select_n3A_1677 : vector<112x128xi1>, vector<112x128xf32>
    %get3A_1737 = arith.constant 0 : index
    %get3A_1738 = arith.constant 0 : index
    %get3A_1739 = arith.constant 116 : index
    %get3A_1740 = memref.load %arg2[%get3A_1737, %get3A_1738, %get3A_1739] : memref<1x1x128xf32, #tpu.memory_space<smem>>
    %get3A_1741 = arith.constant 0 : index
    %get3A_1742 = arith.constant 0 : index
    %get3A_1743 = arith.constant 117 : index
    %get3A_1744 = memref.load %arg2[%get3A_1741, %get3A_1742, %get3A_1743] : memref<1x1x128xf32, #tpu.memory_space<smem>>
    %get3A_1745 = arith.constant 0 : index
    %get3A_1746 = arith.constant 0 : index
    %get3A_1747 = arith.constant 118 : index
    %get3A_1748 = memref.load %arg2[%get3A_1745, %get3A_1746, %get3A_1747] : memref<1x1x128xf32, #tpu.memory_space<smem>>
    %get3A_1749 = arith.constant 0 : index
    %get3A_1750 = arith.constant 0 : index
    %get3A_1751 = arith.constant 119 : index
    %get3A_1752 = memref.load %arg2[%get3A_1749, %get3A_1750, %get3A_1751] : memref<1x1x128xf32, #tpu.memory_space<smem>>
    %sub3A_1753 = arith.subf %get3A_1748, %get3A_1740 : f32
    %sub3A_1754 = arith.subf %get3A_1752, %get3A_1744 : f32
    %mul3A_1755 = arith.mulf %sub3A_1753, %sub3A_1754 : f32
    %min3A_1756 = vector.broadcast %get3A_1748 : f32 to vector<112x128xf32>
    %min3A_1757 = arith.minimumf %get3A_15, %min3A_1756 : vector<112x128xf32>
    %max3A_1758 = vector.broadcast %get3A_1740 : f32 to vector<112x128xf32>
    %max3A_1759 = arith.maximumf %get3A_5, %max3A_1758 : vector<112x128xf32>
    %sub3A_1760 = arith.subf %min3A_1757, %max3A_1759 : vector<112x128xf32>
    %jit3A_1761 = arith.constant 0.000000e+00 : f32
    %max3A_1762 = vector.broadcast %jit3A_1761 : f32 to vector<112x128xf32>
    %max3A_1763 = arith.maximumf %max3A_1762, %sub3A_1760 : vector<112x128xf32>
    %min3A_1764 = vector.broadcast %get3A_1752 : f32 to vector<112x128xf32>
    %min3A_1765 = arith.minimumf %get3A_20, %min3A_1764 : vector<112x128xf32>
    %max3A_1766 = vector.broadcast %get3A_1744 : f32 to vector<112x128xf32>
    %max3A_1767 = arith.maximumf %get3A_10, %max3A_1766 : vector<112x128xf32>
    %sub3A_1768 = arith.subf %min3A_1765, %max3A_1767 : vector<112x128xf32>
    %jit3A_1769 = arith.constant 0.000000e+00 : f32
    %max3A_1770 = vector.broadcast %jit3A_1769 : f32 to vector<112x128xf32>
    %max3A_1771 = arith.maximumf %max3A_1770, %sub3A_1768 : vector<112x128xf32>
    %mul3A_1772 = arith.mulf %max3A_1763, %max3A_1771 : vector<112x128xf32>
    %add3A_1773 = vector.broadcast %mul3A_1755 : f32 to vector<112x128xf32>
    %add3A_1774 = arith.addf %mul3A, %add3A_1773 : vector<112x128xf32>
    %sub3A_1775 = arith.subf %add3A_1774, %mul3A_1772 : vector<112x128xf32>
    %max3A_1776 = arith.constant 9.99999971E-10 : f32
    %max3A_1777 = vector.broadcast %max3A_1776 : f32 to vector<112x128xf32>
    %max3A_1778 = arith.maximumf %sub3A_1775, %max3A_1777 : vector<112x128xf32>
    %div3A_1779 = arith.divf %mul3A_1772, %max3A_1778 : vector<112x128xf32>
    %gt3A_1780 = arith.cmpf ogt, %div3A_1779, %select_n3A_1722 : vector<112x128xf32>
    %select_n3A_1781 = arith.select %gt3A_1780, %div3A_1779, %select_n3A_1722 : vector<112x128xi1>, vector<112x128xf32>
    %get3A_1782 = arith.constant 0 : index
    %get3A_1783 = arith.constant 0 : index
    %get3A_1784 = arith.constant 29 : index
    %get3A_1785 = memref.load %arg3[%get3A_1782, %get3A_1783, %get3A_1784] : memref<1x1x32xf32, #tpu.memory_space<smem>>
    %broadcast_in_dim3A_1786 = vector.broadcast %get3A_1785 : f32 to vector<112x128xf32>
    %select_n3A_1787 = arith.select %gt3A_1780, %broadcast_in_dim3A_1786, %select_n3A_1728 : vector<112x128xi1>, vector<112x128xf32>
    %broadcast_in_dim3A_1788 = vector.broadcast %get3A_1740 : f32 to vector<112x128xf32>
    %select_n3A_1789 = arith.select %gt3A_1780, %broadcast_in_dim3A_1788, %select_n3A_1730 : vector<112x128xi1>, vector<112x128xf32>
    %broadcast_in_dim3A_1790 = vector.broadcast %get3A_1744 : f32 to vector<112x128xf32>
    %select_n3A_1791 = arith.select %gt3A_1780, %broadcast_in_dim3A_1790, %select_n3A_1732 : vector<112x128xi1>, vector<112x128xf32>
    %broadcast_in_dim3A_1792 = vector.broadcast %get3A_1748 : f32 to vector<112x128xf32>
    %select_n3A_1793 = arith.select %gt3A_1780, %broadcast_in_dim3A_1792, %select_n3A_1734 : vector<112x128xi1>, vector<112x128xf32>
    %broadcast_in_dim3A_1794 = vector.broadcast %get3A_1752 : f32 to vector<112x128xf32>
    %select_n3A_1795 = arith.select %gt3A_1780, %broadcast_in_dim3A_1794, %select_n3A_1736 : vector<112x128xi1>, vector<112x128xf32>
    %get3A_1796 = arith.constant 0 : index
    %get3A_1797 = arith.constant 0 : index
    %get3A_1798 = arith.constant 120 : index
    %get3A_1799 = memref.load %arg2[%get3A_1796, %get3A_1797, %get3A_1798] : memref<1x1x128xf32, #tpu.memory_space<smem>>
    %get3A_1800 = arith.constant 0 : index
    %get3A_1801 = arith.constant 0 : index
    %get3A_1802 = arith.constant 121 : index
    %get3A_1803 = memref.load %arg2[%get3A_1800, %get3A_1801, %get3A_1802] : memref<1x1x128xf32, #tpu.memory_space<smem>>
    %get3A_1804 = arith.constant 0 : index
    %get3A_1805 = arith.constant 0 : index
    %get3A_1806 = arith.constant 122 : index
    %get3A_1807 = memref.load %arg2[%get3A_1804, %get3A_1805, %get3A_1806] : memref<1x1x128xf32, #tpu.memory_space<smem>>
    %get3A_1808 = arith.constant 0 : index
    %get3A_1809 = arith.constant 0 : index
    %get3A_1810 = arith.constant 123 : index
    %get3A_1811 = memref.load %arg2[%get3A_1808, %get3A_1809, %get3A_1810] : memref<1x1x128xf32, #tpu.memory_space<smem>>
    %sub3A_1812 = arith.subf %get3A_1807, %get3A_1799 : f32
    %sub3A_1813 = arith.subf %get3A_1811, %get3A_1803 : f32
    %mul3A_1814 = arith.mulf %sub3A_1812, %sub3A_1813 : f32
    %min3A_1815 = vector.broadcast %get3A_1807 : f32 to vector<112x128xf32>
    %min3A_1816 = arith.minimumf %get3A_15, %min3A_1815 : vector<112x128xf32>
    %max3A_1817 = vector.broadcast %get3A_1799 : f32 to vector<112x128xf32>
    %max3A_1818 = arith.maximumf %get3A_5, %max3A_1817 : vector<112x128xf32>
    %sub3A_1819 = arith.subf %min3A_1816, %max3A_1818 : vector<112x128xf32>
    %jit3A_1820 = arith.constant 0.000000e+00 : f32
    %max3A_1821 = vector.broadcast %jit3A_1820 : f32 to vector<112x128xf32>
    %max3A_1822 = arith.maximumf %max3A_1821, %sub3A_1819 : vector<112x128xf32>
    %min3A_1823 = vector.broadcast %get3A_1811 : f32 to vector<112x128xf32>
    %min3A_1824 = arith.minimumf %get3A_20, %min3A_1823 : vector<112x128xf32>
    %max3A_1825 = vector.broadcast %get3A_1803 : f32 to vector<112x128xf32>
    %max3A_1826 = arith.maximumf %get3A_10, %max3A_1825 : vector<112x128xf32>
    %sub3A_1827 = arith.subf %min3A_1824, %max3A_1826 : vector<112x128xf32>
    %jit3A_1828 = arith.constant 0.000000e+00 : f32
    %max3A_1829 = vector.broadcast %jit3A_1828 : f32 to vector<112x128xf32>
    %max3A_1830 = arith.maximumf %max3A_1829, %sub3A_1827 : vector<112x128xf32>
    %mul3A_1831 = arith.mulf %max3A_1822, %max3A_1830 : vector<112x128xf32>
    %add3A_1832 = vector.broadcast %mul3A_1814 : f32 to vector<112x128xf32>
    %add3A_1833 = arith.addf %mul3A, %add3A_1832 : vector<112x128xf32>
    %sub3A_1834 = arith.subf %add3A_1833, %mul3A_1831 : vector<112x128xf32>
    %max3A_1835 = arith.constant 9.99999971E-10 : f32
    %max3A_1836 = vector.broadcast %max3A_1835 : f32 to vector<112x128xf32>
    %max3A_1837 = arith.maximumf %sub3A_1834, %max3A_1836 : vector<112x128xf32>
    %div3A_1838 = arith.divf %mul3A_1831, %max3A_1837 : vector<112x128xf32>
    %gt3A_1839 = arith.cmpf ogt, %div3A_1838, %select_n3A_1781 : vector<112x128xf32>
    %select_n3A_1840 = arith.select %gt3A_1839, %div3A_1838, %select_n3A_1781 : vector<112x128xi1>, vector<112x128xf32>
    %get3A_1841 = arith.constant 0 : index
    %get3A_1842 = arith.constant 0 : index
    %get3A_1843 = arith.constant 30 : index
    %get3A_1844 = memref.load %arg3[%get3A_1841, %get3A_1842, %get3A_1843] : memref<1x1x32xf32, #tpu.memory_space<smem>>
    %broadcast_in_dim3A_1845 = vector.broadcast %get3A_1844 : f32 to vector<112x128xf32>
    %select_n3A_1846 = arith.select %gt3A_1839, %broadcast_in_dim3A_1845, %select_n3A_1787 : vector<112x128xi1>, vector<112x128xf32>
    %broadcast_in_dim3A_1847 = vector.broadcast %get3A_1799 : f32 to vector<112x128xf32>
    %select_n3A_1848 = arith.select %gt3A_1839, %broadcast_in_dim3A_1847, %select_n3A_1789 : vector<112x128xi1>, vector<112x128xf32>
    %broadcast_in_dim3A_1849 = vector.broadcast %get3A_1803 : f32 to vector<112x128xf32>
    %select_n3A_1850 = arith.select %gt3A_1839, %broadcast_in_dim3A_1849, %select_n3A_1791 : vector<112x128xi1>, vector<112x128xf32>
    %broadcast_in_dim3A_1851 = vector.broadcast %get3A_1807 : f32 to vector<112x128xf32>
    %select_n3A_1852 = arith.select %gt3A_1839, %broadcast_in_dim3A_1851, %select_n3A_1793 : vector<112x128xi1>, vector<112x128xf32>
    %broadcast_in_dim3A_1853 = vector.broadcast %get3A_1811 : f32 to vector<112x128xf32>
    %select_n3A_1854 = arith.select %gt3A_1839, %broadcast_in_dim3A_1853, %select_n3A_1795 : vector<112x128xi1>, vector<112x128xf32>
    %get3A_1855 = arith.constant 0 : index
    %get3A_1856 = arith.constant 0 : index
    %get3A_1857 = arith.constant 124 : index
    %get3A_1858 = memref.load %arg2[%get3A_1855, %get3A_1856, %get3A_1857] : memref<1x1x128xf32, #tpu.memory_space<smem>>
    %get3A_1859 = arith.constant 0 : index
    %get3A_1860 = arith.constant 0 : index
    %get3A_1861 = arith.constant 125 : index
    %get3A_1862 = memref.load %arg2[%get3A_1859, %get3A_1860, %get3A_1861] : memref<1x1x128xf32, #tpu.memory_space<smem>>
    %get3A_1863 = arith.constant 0 : index
    %get3A_1864 = arith.constant 0 : index
    %get3A_1865 = arith.constant 126 : index
    %get3A_1866 = memref.load %arg2[%get3A_1863, %get3A_1864, %get3A_1865] : memref<1x1x128xf32, #tpu.memory_space<smem>>
    %get3A_1867 = arith.constant 0 : index
    %get3A_1868 = arith.constant 0 : index
    %get3A_1869 = arith.constant 127 : index
    %get3A_1870 = memref.load %arg2[%get3A_1867, %get3A_1868, %get3A_1869] : memref<1x1x128xf32, #tpu.memory_space<smem>>
    %sub3A_1871 = arith.subf %get3A_1866, %get3A_1858 : f32
    %sub3A_1872 = arith.subf %get3A_1870, %get3A_1862 : f32
    %mul3A_1873 = arith.mulf %sub3A_1871, %sub3A_1872 : f32
    %min3A_1874 = vector.broadcast %get3A_1866 : f32 to vector<112x128xf32>
    %min3A_1875 = arith.minimumf %get3A_15, %min3A_1874 : vector<112x128xf32>
    %max3A_1876 = vector.broadcast %get3A_1858 : f32 to vector<112x128xf32>
    %max3A_1877 = arith.maximumf %get3A_5, %max3A_1876 : vector<112x128xf32>
    %sub3A_1878 = arith.subf %min3A_1875, %max3A_1877 : vector<112x128xf32>
    %jit3A_1879 = arith.constant 0.000000e+00 : f32
    %max3A_1880 = vector.broadcast %jit3A_1879 : f32 to vector<112x128xf32>
    %max3A_1881 = arith.maximumf %max3A_1880, %sub3A_1878 : vector<112x128xf32>
    %min3A_1882 = vector.broadcast %get3A_1870 : f32 to vector<112x128xf32>
    %min3A_1883 = arith.minimumf %get3A_20, %min3A_1882 : vector<112x128xf32>
    %max3A_1884 = vector.broadcast %get3A_1862 : f32 to vector<112x128xf32>
    %max3A_1885 = arith.maximumf %get3A_10, %max3A_1884 : vector<112x128xf32>
    %sub3A_1886 = arith.subf %min3A_1883, %max3A_1885 : vector<112x128xf32>
    %jit3A_1887 = arith.constant 0.000000e+00 : f32
    %max3A_1888 = vector.broadcast %jit3A_1887 : f32 to vector<112x128xf32>
    %max3A_1889 = arith.maximumf %max3A_1888, %sub3A_1886 : vector<112x128xf32>
    %mul3A_1890 = arith.mulf %max3A_1881, %max3A_1889 : vector<112x128xf32>
    %add3A_1891 = vector.broadcast %mul3A_1873 : f32 to vector<112x128xf32>
    %add3A_1892 = arith.addf %mul3A, %add3A_1891 : vector<112x128xf32>
    %sub3A_1893 = arith.subf %add3A_1892, %mul3A_1890 : vector<112x128xf32>
    %max3A_1894 = arith.constant 9.99999971E-10 : f32
    %max3A_1895 = vector.broadcast %max3A_1894 : f32 to vector<112x128xf32>
    %max3A_1896 = arith.maximumf %sub3A_1893, %max3A_1895 : vector<112x128xf32>
    %div3A_1897 = arith.divf %mul3A_1890, %max3A_1896 : vector<112x128xf32>
    %gt3A_1898 = arith.cmpf ogt, %div3A_1897, %select_n3A_1840 : vector<112x128xf32>
    %select_n3A_1899 = arith.select %gt3A_1898, %div3A_1897, %select_n3A_1840 : vector<112x128xi1>, vector<112x128xf32>
    %get3A_1900 = arith.constant 0 : index
    %get3A_1901 = arith.constant 0 : index
    %get3A_1902 = arith.constant 31 : index
    %get3A_1903 = memref.load %arg3[%get3A_1900, %get3A_1901, %get3A_1902] : memref<1x1x32xf32, #tpu.memory_space<smem>>
    %broadcast_in_dim3A_1904 = vector.broadcast %get3A_1903 : f32 to vector<112x128xf32>
    %select_n3A_1905 = arith.select %gt3A_1898, %broadcast_in_dim3A_1904, %select_n3A_1846 : vector<112x128xi1>, vector<112x128xf32>
    %broadcast_in_dim3A_1906 = vector.broadcast %get3A_1858 : f32 to vector<112x128xf32>
    %select_n3A_1907 = arith.select %gt3A_1898, %broadcast_in_dim3A_1906, %select_n3A_1848 : vector<112x128xi1>, vector<112x128xf32>
    %broadcast_in_dim3A_1908 = vector.broadcast %get3A_1862 : f32 to vector<112x128xf32>
    %select_n3A_1909 = arith.select %gt3A_1898, %broadcast_in_dim3A_1908, %select_n3A_1850 : vector<112x128xi1>, vector<112x128xf32>
    %broadcast_in_dim3A_1910 = vector.broadcast %get3A_1866 : f32 to vector<112x128xf32>
    %select_n3A_1911 = arith.select %gt3A_1898, %broadcast_in_dim3A_1910, %select_n3A_1852 : vector<112x128xi1>, vector<112x128xf32>
    %broadcast_in_dim3A_1912 = vector.broadcast %get3A_1870 : f32 to vector<112x128xf32>
    %select_n3A_1913 = arith.select %gt3A_1898, %broadcast_in_dim3A_1912, %select_n3A_1854 : vector<112x128xi1>, vector<112x128xf32>
    %iota3A = tpu.iota {dimensions = array<i32: 0>} : vector<112x128xi32>
    %mul3A_1914 = arith.constant 128 : i32
    %mul3A_1915 = vector.broadcast %mul3A_1914 : i32 to vector<112x128xi32>
    %mul3A_1916 = arith.muli %iota3A, %mul3A_1915 : vector<112x128xi32>
    %iota3A_1917 = tpu.iota {dimensions = array<i32: 1>} : vector<112x128xi32>
    %add3A_1918 = arith.addi %mul3A_1916, %iota3A_1917 : vector<112x128xi32>
    %mul3A_1919 = arith.constant 14336 : i32
    %mul3A_1920 = arith.muli %arg1, %mul3A_1919 : i32
    %add3A_1921 = vector.broadcast %mul3A_1920 : i32 to vector<112x128xi32>
    %add3A_1922 = arith.addi %add3A_1918, %add3A_1921 : vector<112x128xi32>
    %lt3A = arith.constant 100000 : i32
    %lt3A_1923 = vector.broadcast %lt3A : i32 to vector<112x128xi32>
    %lt3A_1924 = arith.cmpi slt, %add3A_1922, %lt3A_1923 : vector<112x128xi32>
    %convert_element_type3A_1925 = arith.extui %lt3A_1924 : vector<112x128xi1> to vector<112x128xi32>
    %convert_element_type3A_1926 = arith.sitofp %convert_element_type3A_1925 : vector<112x128xi32> to vector<112x128xf32>
    %ge3A = arith.constant 5.000000e-01 : f32
    %ge3A_1927 = vector.broadcast %ge3A : f32 to vector<112x128xf32>
    %ge3A_1928 = arith.cmpf oge, %select_n3A_1899, %ge3A_1927 : vector<112x128xf32>
    %convert_element_type3A_1929 = arith.extui %ge3A_1928 : vector<112x128xi1> to vector<112x128xi32>
    %convert_element_type3A_1930 = arith.sitofp %convert_element_type3A_1929 : vector<112x128xi32> to vector<112x128xf32>
    %mul3A_1931 = arith.mulf %convert_element_type3A_1930, %convert_element_type3A_1926 : vector<112x128xf32>
    %ge3A_1932 = arith.constant 4.000000e-01 : f32
    %ge3A_1933 = vector.broadcast %ge3A_1932 : f32 to vector<112x128xf32>
    %ge3A_1934 = arith.cmpf oge, %select_n3A_1899, %ge3A_1933 : vector<112x128xf32>
    %lt3A_1935 = arith.constant 5.000000e-01 : f32
    %lt3A_1936 = vector.broadcast %lt3A_1935 : f32 to vector<112x128xf32>
    %lt3A_1937 = arith.cmpf olt, %select_n3A_1899, %lt3A_1936 : vector<112x128xf32>
    %and3A = arith.andi %ge3A_1934, %lt3A_1937 : vector<112x128xi1>
    %convert_element_type3A_1938 = arith.extui %and3A : vector<112x128xi1> to vector<112x128xi32>
    %convert_element_type3A_1939 = arith.sitofp %convert_element_type3A_1938 : vector<112x128xi32> to vector<112x128xf32>
    %mul3A_1940 = arith.mulf %convert_element_type3A_1939, %convert_element_type3A_1926 : vector<112x128xf32>
    %swap3A = arith.constant 0 : index
    %swap3A_1941 = arith.constant 0 : index
    %swap3A_1942 = arith.constant 0 : index
    %swap3A_1943 = vector.load %arg6[%swap3A, %swap3A_1941, %swap3A_1942] : memref<1x112x128xf32, #tpu.memory_space<vmem>>, vector<1x112x128xf32>
    %swap3A_1944 = vector.shape_cast %swap3A_1943 : vector<1x112x128xf32> to vector<112x128xf32>
    %swap3A_1945 = vector.shape_cast %mul3A_1931 : vector<112x128xf32> to vector<1x112x128xf32>
    tpu.vector_store %arg6[%swap3A, %swap3A_1941, %swap3A_1942], %swap3A_1945 {strides = array<i32>} : memref<1x112x128xf32, #tpu.memory_space<vmem>>, vector<1x112x128xf32>,
    %swap3A_1946 = arith.constant 0 : index
    %swap3A_1947 = arith.constant 0 : index
    %swap3A_1948 = arith.constant 0 : index
    %swap3A_1949 = vector.load %arg7[%swap3A_1946, %swap3A_1947, %swap3A_1948] : memref<1x112x128xf32, #tpu.memory_space<vmem>>, vector<1x112x128xf32>
    %swap3A_1950 = vector.shape_cast %swap3A_1949 : vector<1x112x128xf32> to vector<112x128xf32>
    %swap3A_1951 = vector.shape_cast %mul3A_1940 : vector<112x128xf32> to vector<1x112x128xf32>
    tpu.vector_store %arg7[%swap3A_1946, %swap3A_1947, %swap3A_1948], %swap3A_1951 {strides = array<i32>} : memref<1x112x128xf32, #tpu.memory_space<vmem>>, vector<1x112x128xf32>,
    %mul3A_1952 = arith.constant 8000000 : i32
    %mul3A_1953 = arith.muli %arg0, %mul3A_1952 : i32
    %mul3A_1954 = arith.constant 80 : i32
    %mul3A_1955 = vector.broadcast %mul3A_1954 : i32 to vector<112x128xi32>
    %mul3A_1956 = arith.muli %add3A_1922, %mul3A_1955 : vector<112x128xi32>
    %add3A_1957 = vector.broadcast %mul3A_1953 : i32 to vector<112x128xi32>
    %add3A_1958 = arith.addi %add3A_1957, %mul3A_1956 : vector<112x128xi32>
    %convert_element_type3A_1959 = arith.fptosi %select_n3A_1905 : vector<112x128xf32> to vector<112x128xi32>
    %add3A_1960 = arith.addi %add3A_1958, %convert_element_type3A_1959 : vector<112x128xi32>
    %jit3A_1961 = arith.constant 0 : i32
    %broadcast_in_dim3A_1962 = vector.broadcast %jit3A_1961 : i32 to vector<112x128xi32>
    %select_n3A_1963 = arith.select %lt3A_1924, %add3A_1960, %broadcast_in_dim3A_1962 : vector<112x128xi1>, vector<112x128xi32>
    %swap3A_1964 = arith.constant 0 : index
    %swap3A_1965 = arith.constant 0 : index
    %swap3A_1966 = arith.constant 0 : index
    %swap3A_1967 = vector.load %arg8[%swap3A_1964, %swap3A_1965, %swap3A_1966] : memref<1x112x128xi32, #tpu.memory_space<vmem>>, vector<1x112x128xi32>
    %swap3A_1968 = vector.shape_cast %swap3A_1967 : vector<1x112x128xi32> to vector<112x128xi32>
    %swap3A_1969 = vector.shape_cast %select_n3A_1963 : vector<112x128xi32> to vector<1x112x128xi32>
    tpu.vector_store %arg8[%swap3A_1964, %swap3A_1965, %swap3A_1966], %swap3A_1969 {strides = array<i32>} : memref<1x112x128xi32, #tpu.memory_space<vmem>>, vector<1x112x128xi32>,
    %get3A_1970 = arith.constant 0 : index
    %get3A_1971 = arith.constant 0 : index
    %get3A_1972 = arith.constant 0 : index
    %get3A_1973 = vector.load %arg10[%get3A_1970, %get3A_1971, %get3A_1972] : memref<1x1x128xf32, #tpu.memory_space<vmem>>, vector<1x1x128xf32>
    %get3A_1974 = vector.shape_cast %get3A_1973 : vector<1x1x128xf32> to vector<1x128xf32>
    %reduce_sum3A = arith.constant dense<0.000000e+00> : vector<128xf32>
    %reduce_sum3A_1975 = vector.multi_reduction <add>, %mul3A_1931, %reduce_sum3A [0] : vector<112x128xf32> to vector<128xf32>
    %broadcast_in_dim3A_1976 = vector.shape_cast %reduce_sum3A_1975 : vector<128xf32> to vector<1x128xf32>
    %add3A_1977 = arith.addf %get3A_1974, %broadcast_in_dim3A_1976 : vector<1x128xf32>
    %swap3A_1978 = arith.constant 0 : index
    %swap3A_1979 = arith.constant 0 : index
    %swap3A_1980 = arith.constant 0 : index
    %swap3A_1981 = vector.load %arg10[%swap3A_1978, %swap3A_1979, %swap3A_1980] : memref<1x1x128xf32, #tpu.memory_space<vmem>>, vector<1x1x128xf32>
    %swap3A_1982 = vector.shape_cast %swap3A_1981 : vector<1x1x128xf32> to vector<1x128xf32>
    %swap3A_1983 = vector.shape_cast %add3A_1977 : vector<1x128xf32> to vector<1x1x128xf32>
    tpu.vector_store %arg10[%swap3A_1978, %swap3A_1979, %swap3A_1980], %swap3A_1983 {strides = array<i32>} : memref<1x1x128xf32, #tpu.memory_space<vmem>>, vector<1x1x128xf32>,
    %sub3A_1984 = arith.subf %get3A_15, %get3A_5 : vector<112x128xf32>
    %sub3A_1985 = arith.subf %get3A_20, %get3A_10 : vector<112x128xf32>
    %mul3A_1986 = arith.constant 5.000000e-01 : f32
    %mul3A_1987 = vector.broadcast %mul3A_1986 : f32 to vector<112x128xf32>
    %mul3A_1988 = arith.mulf %mul3A_1987, %sub3A_1984 : vector<112x128xf32>
    %add3A_1989 = arith.addf %get3A_5, %mul3A_1988 : vector<112x128xf32>
    %mul3A_1990 = arith.constant 5.000000e-01 : f32
    %mul3A_1991 = vector.broadcast %mul3A_1990 : f32 to vector<112x128xf32>
    %mul3A_1992 = arith.mulf %mul3A_1991, %sub3A_1985 : vector<112x128xf32>
    %add3A_1993 = arith.addf %get3A_10, %mul3A_1992 : vector<112x128xf32>
    %sub3A_1994 = arith.subf %select_n3A_1911, %select_n3A_1907 : vector<112x128xf32>
    %sub3A_1995 = arith.subf %select_n3A_1913, %select_n3A_1909 : vector<112x128xf32>
    %mul3A_1996 = arith.constant 5.000000e-01 : f32
    %mul3A_1997 = vector.broadcast %mul3A_1996 : f32 to vector<112x128xf32>
    %mul3A_1998 = arith.mulf %mul3A_1997, %sub3A_1994 : vector<112x128xf32>
    %add3A_1999 = arith.addf %select_n3A_1907, %mul3A_1998 : vector<112x128xf32>
    %mul3A_2000 = arith.constant 5.000000e-01 : f32
    %mul3A_2001 = vector.broadcast %mul3A_2000 : f32 to vector<112x128xf32>
    %mul3A_2002 = arith.mulf %mul3A_2001, %sub3A_1995 : vector<112x128xf32>
    %add3A_2003 = arith.addf %select_n3A_1909, %mul3A_2002 : vector<112x128xf32>
    %sub3A_2004 = arith.subf %add3A_1999, %add3A_1989 : vector<112x128xf32>
    %div3A_2005 = arith.divf %sub3A_2004, %sub3A_1984 : vector<112x128xf32>
    %sub3A_2006 = arith.subf %add3A_2003, %add3A_1993 : vector<112x128xf32>
    %div3A_2007 = arith.divf %sub3A_2006, %sub3A_1985 : vector<112x128xf32>
    %div3A_2008 = arith.divf %sub3A_1994, %sub3A_1984 : vector<112x128xf32>
    %log3A = math.log %div3A_2008 : vector<112x128xf32>
    %div3A_2009 = arith.divf %sub3A_1995, %sub3A_1985 : vector<112x128xf32>
    %log3A_2010 = math.log %div3A_2009 : vector<112x128xf32>
    %broadcast_in_dim3A_2011 = arith.constant 0.000000e+00 : f32
    %broadcast_in_dim3A_2012 = vector.broadcast %broadcast_in_dim3A_2011 : f32 to vector<112x128xf32>
    %get3A_2013 = arith.constant 0 : index
    %get3A_2014 = arith.constant 0 : index
    %get3A_2015 = arith.constant 0 : index
    %get3A_2016 = arith.constant 0 : index
    %get3A_2017 = vector.load %arg5[%get3A_2013, %get3A_2014, %get3A_2015, %get3A_2016] : memref<1x4x112x128xf32, #tpu.memory_space<vmem>>, vector<1x1x112x128xf32>
    %get3A_2018 = vector.shape_cast %get3A_2017 : vector<1x1x112x128xf32> to vector<112x128xf32>
    %sub3A_2019 = arith.subf %get3A_2018, %div3A_2005 : vector<112x128xf32>
    %abs3A = math.absf %sub3A_2019 : vector<112x128xf32>
    %lt3A_2020 = arith.constant 0.111111112 : f32
    %lt3A_2021 = vector.broadcast %lt3A_2020 : f32 to vector<112x128xf32>
    %lt3A_2022 = arith.cmpf olt, %abs3A, %lt3A_2021 : vector<112x128xf32>
    %mul3A_2023 = arith.constant 4.500000e+00 : f32
    %mul3A_2024 = vector.broadcast %mul3A_2023 : f32 to vector<112x128xf32>
    %mul3A_2025 = arith.mulf %mul3A_2024, %abs3A : vector<112x128xf32>
    %mul3A_2026 = arith.mulf %mul3A_2025, %abs3A : vector<112x128xf32>
    %sub3A_2027 = arith.constant 0.055555556 : f32
    %sub3A_2028 = vector.broadcast %sub3A_2027 : f32 to vector<112x128xf32>
    %sub3A_2029 = arith.subf %abs3A, %sub3A_2028 : vector<112x128xf32>
    %select_n3A_2030 = arith.select %lt3A_2022, %mul3A_2026, %sub3A_2029 : vector<112x128xi1>, vector<112x128xf32>
    %add3A_2031 = arith.addf %broadcast_in_dim3A_2012, %select_n3A_2030 : vector<112x128xf32>
    %get3A_2032 = arith.constant 0 : index
    %get3A_2033 = arith.constant 1 : index
    %get3A_2034 = arith.constant 0 : index
    %get3A_2035 = arith.constant 0 : index
    %get3A_2036 = vector.load %arg5[%get3A_2032, %get3A_2033, %get3A_2034, %get3A_2035] : memref<1x4x112x128xf32, #tpu.memory_space<vmem>>, vector<1x1x112x128xf32>
    %get3A_2037 = vector.shape_cast %get3A_2036 : vector<1x1x112x128xf32> to vector<112x128xf32>
    %sub3A_2038 = arith.subf %get3A_2037, %div3A_2007 : vector<112x128xf32>
    %abs3A_2039 = math.absf %sub3A_2038 : vector<112x128xf32>
    %lt3A_2040 = arith.constant 0.111111112 : f32
    %lt3A_2041 = vector.broadcast %lt3A_2040 : f32 to vector<112x128xf32>
    %lt3A_2042 = arith.cmpf olt, %abs3A_2039, %lt3A_2041 : vector<112x128xf32>
    %mul3A_2043 = arith.constant 4.500000e+00 : f32
    %mul3A_2044 = vector.broadcast %mul3A_2043 : f32 to vector<112x128xf32>
    %mul3A_2045 = arith.mulf %mul3A_2044, %abs3A_2039 : vector<112x128xf32>
    %mul3A_2046 = arith.mulf %mul3A_2045, %abs3A_2039 : vector<112x128xf32>
    %sub3A_2047 = arith.constant 0.055555556 : f32
    %sub3A_2048 = vector.broadcast %sub3A_2047 : f32 to vector<112x128xf32>
    %sub3A_2049 = arith.subf %abs3A_2039, %sub3A_2048 : vector<112x128xf32>
    %select_n3A_2050 = arith.select %lt3A_2042, %mul3A_2046, %sub3A_2049 : vector<112x128xi1>, vector<112x128xf32>
    %add3A_2051 = arith.addf %add3A_2031, %select_n3A_2050 : vector<112x128xf32>
    %get3A_2052 = arith.constant 0 : index
    %get3A_2053 = arith.constant 2 : index
    %get3A_2054 = arith.constant 0 : index
    %get3A_2055 = arith.constant 0 : index
    %get3A_2056 = vector.load %arg5[%get3A_2052, %get3A_2053, %get3A_2054, %get3A_2055] : memref<1x4x112x128xf32, #tpu.memory_space<vmem>>, vector<1x1x112x128xf32>
    %get3A_2057 = vector.shape_cast %get3A_2056 : vector<1x1x112x128xf32> to vector<112x128xf32>
    %sub3A_2058 = arith.subf %get3A_2057, %log3A : vector<112x128xf32>
    %abs3A_2059 = math.absf %sub3A_2058 : vector<112x128xf32>
    %lt3A_2060 = arith.constant 0.111111112 : f32
    %lt3A_2061 = vector.broadcast %lt3A_2060 : f32 to vector<112x128xf32>
    %lt3A_2062 = arith.cmpf olt, %abs3A_2059, %lt3A_2061 : vector<112x128xf32>
    %mul3A_2063 = arith.constant 4.500000e+00 : f32
    %mul3A_2064 = vector.broadcast %mul3A_2063 : f32 to vector<112x128xf32>
    %mul3A_2065 = arith.mulf %mul3A_2064, %abs3A_2059 : vector<112x128xf32>
    %mul3A_2066 = arith.mulf %mul3A_2065, %abs3A_2059 : vector<112x128xf32>
    %sub3A_2067 = arith.constant 0.055555556 : f32
    %sub3A_2068 = vector.broadcast %sub3A_2067 : f32 to vector<112x128xf32>
    %sub3A_2069 = arith.subf %abs3A_2059, %sub3A_2068 : vector<112x128xf32>
    %select_n3A_2070 = arith.select %lt3A_2062, %mul3A_2066, %sub3A_2069 : vector<112x128xi1>, vector<112x128xf32>
    %add3A_2071 = arith.addf %add3A_2051, %select_n3A_2070 : vector<112x128xf32>
    %get3A_2072 = arith.constant 0 : index
    %get3A_2073 = arith.constant 3 : index
    %get3A_2074 = arith.constant 0 : index
    %get3A_2075 = arith.constant 0 : index
    %get3A_2076 = vector.load %arg5[%get3A_2072, %get3A_2073, %get3A_2074, %get3A_2075] : memref<1x4x112x128xf32, #tpu.memory_space<vmem>>, vector<1x1x112x128xf32>
    %get3A_2077 = vector.shape_cast %get3A_2076 : vector<1x1x112x128xf32> to vector<112x128xf32>
    %sub3A_2078 = arith.subf %get3A_2077, %log3A_2010 : vector<112x128xf32>
    %abs3A_2079 = math.absf %sub3A_2078 : vector<112x128xf32>
    %lt3A_2080 = arith.constant 0.111111112 : f32
    %lt3A_2081 = vector.broadcast %lt3A_2080 : f32 to vector<112x128xf32>
    %lt3A_2082 = arith.cmpf olt, %abs3A_2079, %lt3A_2081 : vector<112x128xf32>
    %mul3A_2083 = arith.constant 4.500000e+00 : f32
    %mul3A_2084 = vector.broadcast %mul3A_2083 : f32 to vector<112x128xf32>
    %mul3A_2085 = arith.mulf %mul3A_2084, %abs3A_2079 : vector<112x128xf32>
    %mul3A_2086 = arith.mulf %mul3A_2085, %abs3A_2079 : vector<112x128xf32>
    %sub3A_2087 = arith.constant 0.055555556 : f32
    %sub3A_2088 = vector.broadcast %sub3A_2087 : f32 to vector<112x128xf32>
    %sub3A_2089 = arith.subf %abs3A_2079, %sub3A_2088 : vector<112x128xf32>
    %select_n3A_2090 = arith.select %lt3A_2082, %mul3A_2086, %sub3A_2089 : vector<112x128xi1>, vector<112x128xf32>
    %add3A_2091 = arith.addf %add3A_2071, %select_n3A_2090 : vector<112x128xf32>
    %get3A_2092 = arith.constant 0 : index
    %get3A_2093 = arith.constant 0 : index
    %get3A_2094 = arith.constant 0 : index
    %get3A_2095 = vector.load %arg9[%get3A_2092, %get3A_2093, %get3A_2094] : memref<1x1x128xf32, #tpu.memory_space<vmem>>, vector<1x1x128xf32>
    %get3A_2096 = vector.shape_cast %get3A_2095 : vector<1x1x128xf32> to vector<1x128xf32>
    %mul3A_2097 = arith.mulf %add3A_2091, %mul3A_1931 : vector<112x128xf32>
    %reduce_sum3A_2098 = arith.constant dense<0.000000e+00> : vector<128xf32>
    %reduce_sum3A_2099 = vector.multi_reduction <add>, %mul3A_2097, %reduce_sum3A_2098 [0] : vector<112x128xf32> to vector<128xf32>
    %broadcast_in_dim3A_2100 = vector.shape_cast %reduce_sum3A_2099 : vector<128xf32> to vector<1x128xf32>
    %add3A_2101 = arith.addf %get3A_2096, %broadcast_in_dim3A_2100 : vector<1x128xf32>
    %swap3A_2102 = arith.constant 0 : index
    %swap3A_2103 = arith.constant 0 : index
    %swap3A_2104 = arith.constant 0 : index
    %swap3A_2105 = vector.load %arg9[%swap3A_2102, %swap3A_2103, %swap3A_2104] : memref<1x1x128xf32, #tpu.memory_space<vmem>>, vector<1x1x128xf32>
    %swap3A_2106 = vector.shape_cast %swap3A_2105 : vector<1x1x128xf32> to vector<1x128xf32>
    %swap3A_2107 = vector.shape_cast %add3A_2101 : vector<1x128xf32> to vector<1x1x128xf32>
    tpu.vector_store %arg9[%swap3A_2102, %swap3A_2103, %swap3A_2104], %swap3A_2107 {strides = array<i32>} : memref<1x1x128xf32, #tpu.memory_space<vmem>>, vector<1x1x128xf32>,
    return
  }
  func.func @transform_0(%arg0: i32, %arg1: i32) -> (i32, i32, i32) {
    %c0_i32 = arith.constant 0 : i32
    %c0_i32_0 = arith.constant 0 : i32
    %c0_i32_1 = arith.constant 0 : i32
    return %arg0, %c0_i32, %c0_i32_0 : i32, i32, i32
  }
  func.func @transform_1(%arg0: i32, %arg1: i32) -> (i32, i32, i32) {
    %c0_i32 = arith.constant 0 : i32
    %c0_i32_0 = arith.constant 0 : i32
    %c0_i32_1 = arith.constant 0 : i32
    return %arg0, %c0_i32, %c0_i32_0 : i32, i32, i32
  }
  func.func @transform_2(%arg0: i32, %arg1: i32) -> (i32, i32, i32) {
    %c0_i32 = arith.constant 0 : i32
    %c0_i32_0 = arith.constant 0 : i32
    %c0_i32_1 = arith.constant 0 : i32
    return %c0_i32, %arg1, %c0_i32_0 : i32, i32, i32
  }
  func.func @transform_3(%arg0: i32, %arg1: i32) -> (i32, i32, i32, i32) {
    %c0_i32 = arith.constant 0 : i32
    %c0_i32_0 = arith.constant 0 : i32
    %c0_i32_1 = arith.constant 0 : i32
    return %arg0, %c0_i32, %arg1, %c0_i32_0 : i32, i32, i32, i32
  }
  func.func @transform_4(%arg0: i32, %arg1: i32) -> (i32, i32, i32) {
    %c0_i32 = arith.constant 0 : i32
    %c0_i32_0 = arith.constant 0 : i32
    return %arg0, %arg1, %c0_i32 : i32, i32, i32
  }
  func.func @transform_5(%arg0: i32, %arg1: i32) -> (i32, i32, i32) {
    %c0_i32 = arith.constant 0 : i32
    %c0_i32_0 = arith.constant 0 : i32
    return %arg0, %arg1, %c0_i32 : i32, i32, i32
  }
  func.func @transform_6(%arg0: i32, %arg1: i32) -> (i32, i32, i32) {
    %c0_i32 = arith.constant 0 : i32
    %c0_i32_0 = arith.constant 0 : i32
    return %arg0, %arg1, %c0_i32 : i32, i32, i32
  }
  func.func @transform_7(%arg0: i32, %arg1: i32) -> (i32, i32, i32) {
    %c0_i32 = arith.constant 0 : i32
    %c0_i32_0 = arith.constant 0 : i32
    %c0_i32_1 = arith.constant 0 : i32
    return %arg0, %c0_i32, %c0_i32_0 : i32, i32, i32
  }
  func.func @transform_8(%arg0: i32, %arg1: i32) -> (i32, i32, i32) {
    %c0_i32 = arith.constant 0 : i32
    %c0_i32_0 = arith.constant 0 : i32
    %c0_i32_1 = arith.constant 0 : i32
    return %arg0, %c0_i32, %c0_i32_0 : i32, i32, i32
  }
}

module attributes {stable_mosaic.version = 14 : i64} {
  func.func @_dense_kernel(%arg0: i32, %arg1: i32, %arg2: memref<1x5x100x128xf32, #tpu.memory_space<vmem>>, %arg3: memref<1x1x1x128xf32, #tpu.memory_space<vmem>>) attributes {dimension_semantics = [#tpu.dimension_semantics<arbitrary>, #tpu.dimension_semantics<arbitrary>], iteration_bounds = array<i64: 2, 125>, scalar_prefetch = 0 : i64, scratch_operands = 0 : i64, tpu.core_type = #tpu.core_type<tc>, window_params = [{transform_indices = @transform_0, window_bounds = array<i64: 1, 5, 100, 128>}, {transform_indices = @transform_1, window_bounds = array<i64: 1, 1, 1, 128>}]} {
    %eq3A = arith.constant 0 : i32
    %eq3A_0 = arith.cmpi eq, %arg1, %eq3A : i32
    %convert_element_type3A = arith.extui %eq3A_0 : i1 to i32
    %cond3A = arith.constant 0 : i32
    %cond3A_1 = arith.cmpi ne, %convert_element_type3A, %cond3A : i32
    scf.if %cond3A_1 {
      %broadcast_in_dim3A_31 = arith.constant 0.000000e+00 : f32
      %broadcast_in_dim3A_32 = vector.broadcast %broadcast_in_dim3A_31 : f32 to vector<1x1x1x128xf32>
      %swap3A_33 = arith.constant 0 : index
      %swap3A_34 = arith.constant 0 : index
      %swap3A_35 = arith.constant 0 : index
      %swap3A_36 = arith.constant 0 : index
      %swap3A_37 = vector.load %arg3[%swap3A_33, %swap3A_34, %swap3A_35, %swap3A_36] : memref<1x1x1x128xf32, #tpu.memory_space<vmem>>, vector<1x1x1x128xf32>
      tpu.vector_store %arg3[%swap3A_33, %swap3A_34, %swap3A_35, %swap3A_36], %broadcast_in_dim3A_32 {strides = array<i32>} : memref<1x1x1x128xf32, #tpu.memory_space<vmem>>, vector<1x1x1x128xf32>,
    } else {
    }
    %get3A = arith.constant 0 : index
    %get3A_2 = arith.constant 0 : index
    %get3A_3 = arith.constant 0 : index
    %get3A_4 = arith.constant 0 : index
    %get3A_5 = vector.load %arg2[%get3A, %get3A_2, %get3A_3, %get3A_4] : memref<1x5x100x128xf32, #tpu.memory_space<vmem>>, vector<1x5x100x128xf32>
    %get3A_6 = vector.shape_cast %get3A_5 : vector<1x5x100x128xf32> to vector<5x100x128xf32>
    %jit3A = arith.constant 9.99999997E-7 : f32
    %jit3A_7 = arith.constant 0.999998986 : f32
    %max3A = vector.broadcast %jit3A : f32 to vector<5x100x128xf32>
    %max3A_8 = arith.maximumf %max3A, %get3A_6 : vector<5x100x128xf32>
    %min3A = vector.broadcast %jit3A_7 : f32 to vector<5x100x128xf32>
    %min3A_9 = arith.minimumf %min3A, %max3A_8 : vector<5x100x128xf32>
    %sub3A = arith.constant 1.000000e+00 : f32
    %sub3A_10 = vector.broadcast %sub3A : f32 to vector<5x100x128xf32>
    %sub3A_11 = arith.subf %sub3A_10, %min3A_9 : vector<5x100x128xf32>
    %log3A = math.log %sub3A_11 : vector<5x100x128xf32>
    %neg3A = arith.constant 0.000000e+00 : f32
    %neg3A_12 = vector.broadcast %neg3A : f32 to vector<5x100x128xf32>
    %neg3A_13 = arith.subf %neg3A_12, %log3A : vector<5x100x128xf32>
    %mul3A = arith.constant 7.500000e-01 : f32
    %mul3A_14 = vector.broadcast %mul3A : f32 to vector<5x100x128xf32>
    %mul3A_15 = arith.mulf %mul3A_14, %neg3A_13 : vector<5x100x128xf32>
    %mul3A_16 = arith.mulf %mul3A_15, %min3A_9 : vector<5x100x128xf32>
    %mul3A_17 = arith.mulf %mul3A_16, %min3A_9 : vector<5x100x128xf32>
    %get3A_18 = arith.constant 0 : index
    %get3A_19 = arith.constant 0 : index
    %get3A_20 = arith.constant 0 : index
    %get3A_21 = arith.constant 0 : index
    %get3A_22 = vector.load %arg3[%get3A_18, %get3A_19, %get3A_20, %get3A_21] : memref<1x1x1x128xf32, #tpu.memory_space<vmem>>, vector<1x1x1x128xf32>
    %get3A_23 = vector.shape_cast %get3A_22 : vector<1x1x1x128xf32> to vector<1x1x128xf32>
    %reduce_sum3A = arith.constant dense<0.000000e+00> : vector<128xf32>
    %reduce_sum3A_24 = vector.multi_reduction <add>, %mul3A_17, %reduce_sum3A [0, 1] : vector<5x100x128xf32> to vector<128xf32>
    %broadcast_in_dim3A = vector.shape_cast %reduce_sum3A_24 : vector<128xf32> to vector<1x1x128xf32>
    %add3A = arith.addf %get3A_23, %broadcast_in_dim3A : vector<1x1x128xf32>
    %swap3A = arith.constant 0 : index
    %swap3A_25 = arith.constant 0 : index
    %swap3A_26 = arith.constant 0 : index
    %swap3A_27 = arith.constant 0 : index
    %swap3A_28 = vector.load %arg3[%swap3A, %swap3A_25, %swap3A_26, %swap3A_27] : memref<1x1x1x128xf32, #tpu.memory_space<vmem>>, vector<1x1x1x128xf32>
    %swap3A_29 = vector.shape_cast %swap3A_28 : vector<1x1x1x128xf32> to vector<1x1x128xf32>
    %swap3A_30 = vector.shape_cast %add3A : vector<1x1x128xf32> to vector<1x1x1x128xf32>
    tpu.vector_store %arg3[%swap3A, %swap3A_25, %swap3A_26, %swap3A_27], %swap3A_30 {strides = array<i32>} : memref<1x1x1x128xf32, #tpu.memory_space<vmem>>, vector<1x1x1x128xf32>,
    return
  }
  func.func @transform_0(%arg0: i32, %arg1: i32) -> (i32, i32, i32, i32) {
    %c0_i32 = arith.constant 0 : i32
    %c0_i32_0 = arith.constant 0 : i32
    %c0_i32_1 = arith.constant 0 : i32
    return %arg0, %arg1, %c0_i32, %c0_i32_0 : i32, i32, i32, i32
  }
  func.func @transform_1(%arg0: i32, %arg1: i32) -> (i32, i32, i32, i32) {
    %c0_i32 = arith.constant 0 : i32
    %c0_i32_0 = arith.constant 0 : i32
    %c0_i32_1 = arith.constant 0 : i32
    %c0_i32_2 = arith.constant 0 : i32
    return %arg0, %c0_i32, %c0_i32_0, %c0_i32_1 : i32, i32, i32, i32
  }
}

module attributes {stable_mosaic.version = 14 : i64} {
  func.func @_corr_kernel(%arg0: i32, %arg1: memref<1x784x128xf32, #tpu.memory_space<vmem>>, %arg2: memref<1x784x128xf32, #tpu.memory_space<vmem>>, %arg3: memref<1x784x128xf32, #tpu.memory_space<vmem>>, %arg4: memref<1x1x128xf32, #tpu.memory_space<vmem>>) attributes {dimension_semantics = [#tpu.dimension_semantics<arbitrary>], iteration_bounds = array<i64: 2>, scalar_prefetch = 0 : i64, scratch_operands = 0 : i64, tpu.core_type = #tpu.core_type<tc>, window_params = [{transform_indices = @transform_0, window_bounds = array<i64: 1, 784, 128>}, {transform_indices = @transform_1, window_bounds = array<i64: 1, 784, 128>}, {transform_indices = @transform_2, window_bounds = array<i64: 1, 784, 128>}, {transform_indices = @transform_3, window_bounds = array<i64: 1, 1, 128>}]} {
    %get3A = arith.constant 0 : index
    %get3A_0 = arith.constant 0 : index
    %get3A_1 = arith.constant 0 : index
    %get3A_2 = vector.load %arg1[%get3A, %get3A_0, %get3A_1] : memref<1x784x128xf32, #tpu.memory_space<vmem>>, vector<1x784x128xf32>
    %get3A_3 = vector.shape_cast %get3A_2 : vector<1x784x128xf32> to vector<784x128xf32>
    %jit3A = arith.constant 9.99999997E-7 : f32
    %jit3A_4 = arith.constant 0.999998986 : f32
    %max3A = vector.broadcast %jit3A : f32 to vector<784x128xf32>
    %max3A_5 = arith.maximumf %max3A, %get3A_3 : vector<784x128xf32>
    %min3A = vector.broadcast %jit3A_4 : f32 to vector<784x128xf32>
    %min3A_6 = arith.minimumf %min3A, %max3A_5 : vector<784x128xf32>
    %sub3A = arith.constant 1.000000e+00 : f32
    %sub3A_7 = vector.broadcast %sub3A : f32 to vector<784x128xf32>
    %sub3A_8 = arith.subf %sub3A_7, %min3A_6 : vector<784x128xf32>
    %log3A = math.log %sub3A_8 : vector<784x128xf32>
    %neg3A = arith.constant 0.000000e+00 : f32
    %neg3A_9 = vector.broadcast %neg3A : f32 to vector<784x128xf32>
    %neg3A_10 = arith.subf %neg3A_9, %log3A : vector<784x128xf32>
    %mul3A = arith.constant 7.500000e-01 : f32
    %mul3A_11 = vector.broadcast %mul3A : f32 to vector<784x128xf32>
    %mul3A_12 = arith.mulf %mul3A_11, %neg3A_10 : vector<784x128xf32>
    %mul3A_13 = arith.mulf %mul3A_12, %min3A_6 : vector<784x128xf32>
    %mul3A_14 = arith.mulf %mul3A_13, %min3A_6 : vector<784x128xf32>
    %log3A_15 = math.log %min3A_6 : vector<784x128xf32>
    %neg3A_16 = arith.constant 0.000000e+00 : f32
    %neg3A_17 = vector.broadcast %neg3A_16 : f32 to vector<784x128xf32>
    %neg3A_18 = arith.subf %neg3A_17, %log3A_15 : vector<784x128xf32>
    %mul3A_19 = arith.constant 2.500000e-01 : f32
    %mul3A_20 = vector.broadcast %mul3A_19 : f32 to vector<784x128xf32>
    %mul3A_21 = arith.mulf %mul3A_20, %neg3A_18 : vector<784x128xf32>
    %mul3A_22 = arith.mulf %mul3A_21, %sub3A_8 : vector<784x128xf32>
    %mul3A_23 = arith.mulf %mul3A_22, %sub3A_8 : vector<784x128xf32>
    %get3A_24 = arith.constant 0 : index
    %get3A_25 = arith.constant 0 : index
    %get3A_26 = arith.constant 0 : index
    %get3A_27 = vector.load %arg2[%get3A_24, %get3A_25, %get3A_26] : memref<1x784x128xf32, #tpu.memory_space<vmem>>, vector<1x784x128xf32>
    %get3A_28 = vector.shape_cast %get3A_27 : vector<1x784x128xf32> to vector<784x128xf32>
    %sub3A_29 = arith.subf %mul3A_23, %mul3A_14 : vector<784x128xf32>
    %mul3A_30 = arith.mulf %get3A_28, %sub3A_29 : vector<784x128xf32>
    %get3A_31 = arith.constant 0 : index
    %get3A_32 = arith.constant 0 : index
    %get3A_33 = arith.constant 0 : index
    %get3A_34 = vector.load %arg3[%get3A_31, %get3A_32, %get3A_33] : memref<1x784x128xf32, #tpu.memory_space<vmem>>, vector<1x784x128xf32>
    %get3A_35 = vector.shape_cast %get3A_34 : vector<1x784x128xf32> to vector<784x128xf32>
    %mul3A_36 = arith.mulf %get3A_35, %mul3A_14 : vector<784x128xf32>
    %sub3A_37 = arith.subf %mul3A_30, %mul3A_36 : vector<784x128xf32>
    %reduce_sum3A = arith.constant dense<0.000000e+00> : vector<128xf32>
    %reduce_sum3A_38 = vector.multi_reduction <add>, %sub3A_37, %reduce_sum3A [0] : vector<784x128xf32> to vector<128xf32>
    %broadcast_in_dim3A = vector.shape_cast %reduce_sum3A_38 : vector<128xf32> to vector<1x128xf32>
    %swap3A = arith.constant 0 : index
    %swap3A_39 = arith.constant 0 : index
    %swap3A_40 = arith.constant 0 : index
    %swap3A_41 = vector.load %arg4[%swap3A, %swap3A_39, %swap3A_40] : memref<1x1x128xf32, #tpu.memory_space<vmem>>, vector<1x1x128xf32>
    %swap3A_42 = vector.shape_cast %swap3A_41 : vector<1x1x128xf32> to vector<1x128xf32>
    %swap3A_43 = vector.shape_cast %broadcast_in_dim3A : vector<1x128xf32> to vector<1x1x128xf32>
    tpu.vector_store %arg4[%swap3A, %swap3A_39, %swap3A_40], %swap3A_43 {strides = array<i32>} : memref<1x1x128xf32, #tpu.memory_space<vmem>>, vector<1x1x128xf32>,
    return
  }
  func.func @transform_0(%arg0: i32) -> (i32, i32, i32) {
    %c0_i32 = arith.constant 0 : i32
    %c0_i32_0 = arith.constant 0 : i32
    %c0_i32_1 = arith.constant 0 : i32
    return %arg0, %c0_i32, %c0_i32_0 : i32, i32, i32
  }
  func.func @transform_1(%arg0: i32) -> (i32, i32, i32) {
    %c0_i32 = arith.constant 0 : i32
    %c0_i32_0 = arith.constant 0 : i32
    %c0_i32_1 = arith.constant 0 : i32
    return %arg0, %c0_i32, %c0_i32_0 : i32, i32, i32
  }
  func.func @transform_2(%arg0: i32) -> (i32, i32, i32) {
    %c0_i32 = arith.constant 0 : i32
    %c0_i32_0 = arith.constant 0 : i32
    %c0_i32_1 = arith.constant 0 : i32
    return %arg0, %c0_i32, %c0_i32_0 : i32, i32, i32
  }
  func.func @transform_3(%arg0: i32) -> (i32, i32, i32) {
    %c0_i32 = arith.constant 0 : i32
    %c0_i32_0 = arith.constant 0 : i32
    %c0_i32_1 = arith.constant 0 : i32
    return %arg0, %c0_i32, %c0_i32_0 : i32, i32, i32
  }
}

</mosaic_0001>

<sc_bundles>
// kernel: kernel.6.cloned.1.call-start
scs
__scs_entry_jumppad:
0x0: {  	(pc) =	sbr.rel $0x88, $3  }
0x1: {  	(tag) =	ssettag $0x0;
	lr =	simm.s32 $0x1  }
0x2: {  	[smem:$0x3F9C] =	sst lr;
	_ =	strace $0xD0000000  }
0x3: {  	_ = 	snop  }
0x4: {  	_ = 	snop  }
0x5: {  	_ = 	snop  }
0x6: {  	_ = 	snop  }
0x7: {  	_ = 	snop  }
__scs_overlays_trampoline_lowered:
0x8: {  	[smem:$0x3FAB] =	sst s0  }
0x9: {  	[smem:$0x3FAC] =	sst s1  }
0xa: {  	[smem:$0x3FAD] =	sst s2  }
0xb: {  	[smem:$0x3FAE] =	sst s3  }
0xc: {  	[smem:$0x3FAF] =	sst s4  }
0xd: {  	[smem:$0x3FB0] =	sst s5  }
0xe: {  	[smem:$0x3FB1] =	sst s6  }
0xf: {  	[smem:$0x3FB2] =	sst s7  }
0x10: {  	[smem:$0x3FB3] =	sst s8  }
0x11: {  	[smem:$0x3FB4] =	sst s9;
	s0 =	simm.s32 @!p0 $0x0  }
0x12: {  	s1 =	sld [smem:$0x3F9A];
	s0 =	simm.s32 @p0 $0x1  }
0x13: {  	[smem:$0x3FB5] =	sst s0;
	s0 =	simm.s32 @!p1 $0x0  }
0x14: {  	s2 =	sld [smem:$0x3F99];
	s0 =	simm.s32 @p1 $0x1  }
0x15: {  	[smem:$0x3FB6] =	sst s0;
	s0 =	simm.s32 @!p2 $0x0  }
0x16: {  	s3 =	sld [smem:$0x3FDB];
	s0 =	simm.s32 @p2 $0x1  }
0x17: {  	s4 =	simm.s32 $0x1BF5;
	[smem:$0x3FB8] =	sst s0  }
0x18: {  	s0 =	sld [smem:$0x3F9B];
	_ =	swait.ge [sflag:s4], $0x0  }
0x19: {  	s7 =	sld [smem:$0x3F9C]  }
0x1a: {  	s8 =	sadd.s32 $0xFFFFE003, lr  }
0x1b: {  	s9 =	sadd.s32 $0xFFFFFEF7, lr;
	s5 =	simm.s32 $0xFFFFFFFF;
	p2 =	slt.u32 s8, $0xFFFFF086  }
0x1c: {  	p1 =	slt.u32 s9, $0xF7A;
	s5 =	simm.s32 @!p2 $0x0  }
0x1d: {  	s5 =	simm.s32 @p1 $0x1;
	p0 =	seq.s32 s7, s2  }
0x1e: {  	s7 =	smul.u32 @!p0 $0xF7A, s2;
	p2 =	seq.s32 @!p0 s5, $0x0  }
0x1f: {  	s9 =	smul.u32 $0xF7A, s1;
	s8 =	simm.s32 @!p0 $0x1BF5;
	p2 =	por !p2, p0  }
0x20: {  	[sflag:s8] =	ssyncset.s32 @!p0 $0xFFFFF086;
	s6 =	sadd.s32 @!p0 s3, s7;
	s7 =	simm.s32 @!p0 $0x108  }
0x21: {  	s3 =	sadd.s32 s3, s9;
	s6 =	sadd.s32 @!p0 $0x88, s6;
	s7 =	simm.s32 @p2 $0x1082  }
0x22: {  	[simem:s7], [sflag:s8] =	dma.local @!p0 [hbm:s6], $0xF7A  }
0x23: {  	s9 =	sor.u32 $0xD0000000, s2;
	s6 =	simm.s32 $0x108;
	_ =	swait.ge @!p0 [sflag:s8], $0x0  }
0x24: {  	s3 =	sadd.s32 $0x88, s3;
	s6 =	simm.s32 @!p1 $0x1082;
	[sflag:s4] =	ssyncset.s32 $0xFFFFF086  }
0x25: {  	[simem:s6], [sflag:s4] =	dma.local [hbm:s3], $0xF7A  }
0x26: {  	[smem:$0x3F9C] =	sst s1;
	(tag) =	ssettag s2;
	_ =	strace s9  }
0x27: {  	s1 =	sld [smem:$0x3FAC]  }
0x28: {  	s2 =	sld [smem:$0x3FAD]  }
0x29: {  	s4 =	sld [smem:$0x3FAF]  }
0x2a: {  	p0 =	seq.s32 s5, $0x0;
	s5 =	sld [smem:$0x3FB0]  }
0x2b: {  	s6 =	sld [smem:$0x3FB1]  }
0x2c: {  	s7 =	sld [smem:$0x3FB2]  }
0x2d: {  	s3 =	simm.s32 $0x108;
	s8 =	sld [smem:$0x3FB3]  }
0x2e: {  	s3 =	simm.s32 @!p0 $0x1082;
	s9 =	sld [smem:$0x3FB4]  }
0x2f: {  	lr =	sadd.s32 s0, s3;
	s0 =	sld [smem:$0x3FAB]  }
0x30: {  	s3 =	sld [smem:$0x3FAE]  }
0x31: {  	[smem:$0x3FB7] =	sst s10  }
0x32: {  	s10 =	sld [smem:$0x3FB5];
	_ =	sdelay $0x3  }
0x33: {  	p0 =	seq.s32 s10, $0x1;
	s10 =	sld [smem:$0x3FB7];
	_ =	sdelay $0x3  }
0x34: {  	[smem:$0x3FB7] =	sst s10  }
0x35: {  	s10 =	sld [smem:$0x3FB6];
	_ =	sdelay $0x3  }
0x36: {  	p1 =	seq.s32 s10, $0x1;
	s10 =	sld [smem:$0x3FB7];
	_ =	sdelay $0x3  }
0x37: {  	[smem:$0x3FB7] =	sst s10  }
0x38: {  	s10 =	sld [smem:$0x3FB8]  }
0x39: {  	_ = 	snop;
	(pc) =	sbr.ind lr, $3  }
0x3a: {  	_ = 	snop  }
0x3b: {  	_ = 	snop  }
0x3c: {  	p2 =	seq.s32 s10, $0x1;
	s10 =	sld [smem:$0x3FB7]  }
0x3d: {  	_ =	shalt  }
0x3e: {  	_ =	shalt  }
0x3f: {  	_ =	shalt  }
0x40: {  	_ =	shalt  }
0x41: {  	_ =	shalt  }
0x42: {  	_ =	shalt  }
0x43: {  	_ =	shalt  }
0x44: {  	_ =	shalt  }
0x45: {  	_ =	shalt  }
0x46: {  	_ =	shalt  }
0x47: {  	_ =	shalt  }
0x48: {  	_ =	shalt  }
0x49: {  	_ =	shalt  }
0x4a: {  	_ =	shalt  }
0x4b: {  	_ =	shalt  }
0x4c: {  	_ =	shalt  }
0x4d: {  	_ =	shalt  }
0x4e: {  	_ =	shalt  }
0x4f: {  	_ =	shalt  }
0x50: {  	_ =	shalt  }
0x51: {  	_ =	shalt  }
0x52: {  	_ =	shalt  }
0x53: {  	_ =	shalt  }
0x54: {  	_ =	shalt  }
0x55: {  	_ =	shalt  }
0x56: {  	_ =	shalt  }
0x57: {  	_ =	shalt  }
0x58: {  	_ =	shalt  }
0x59: {  	_ =	shalt  }
0x5a: {  	_ =	shalt  }
0x5b: {  	_ =	shalt  }
0x5c: {  	_ =	shalt  }
0x5d: {  	_ =	shalt  }
0x5e: {  	_ =	shalt  }
0x5f: {  	_ =	shalt  }
0x60: {  	_ =	shalt  }
0x61: {  	_ =	shalt  }
0x62: {  	_ =	shalt  }
0x63: {  	_ =	shalt  }
0x64: {  	_ =	shalt  }
0x65: {  	_ =	shalt  }
0x66: {  	_ =	shalt  }
0x67: {  	_ =	shalt  }
0x68: {  	_ =	shalt  }
0x69: {  	_ =	shalt  }
0x6a: {  	_ =	shalt  }
0x6b: {  	_ =	shalt  }
0x6c: {  	_ =	shalt  }
0x6d: {  	_ =	shalt  }
0x6e: {  	_ =	shalt  }
0x6f: {  	_ =	shalt  }
0x70: {  	_ =	shalt  }
0x71: {  	_ =	shalt  }
0x72: {  	_ =	shalt  }
0x73: {  	_ =	shalt  }
0x74: {  	_ =	shalt  }
0x75: {  	_ =	shalt  }
0x76: {  	_ =	shalt  }
0x77: {  	_ =	shalt  }
0x78: {  	_ =	shalt  }
0x79: {  	_ =	shalt  }
0x7a: {  	_ =	shalt  }
0x7b: {  	_ =	shalt  }
0x7c: {  	_ =	shalt  }
0x7d: {  	_ =	shalt  }
0x7e: {  	_ =	shalt  }
0x7f: {  	_ =	shalt  }
0x80: {  	_ =	shalt  }
0x81: {  	_ =	shalt  }
0x82: {  	_ =	shalt  }
0x83: {  	_ =	shalt  }
0x84: {  	_ =	shalt  }
0x85: {  	_ =	shalt  }
0x86: {  	_ =	shalt  }
0x87: {  	_ =	shalt  }
.Lfunc_end0:
.L_simem_size_0:
called_computation_lowered:
.L_overlay_start_0:
0x88: {  	s2 =	sld [smem:$0x3FD9]  }
0x89: {  	s3 =	sld [smem:$0x3FFE];
	_ =	sdelay $0x1  }
0x8a: {  	s1 =	srdreg.scid  }
0x8b: {  	s0 =	sand.u32 $0x1, s1  }
0x8c: {  	s16 =	sshll.u32 s0, $0xA;
	s2 =	sadd.s32 s3, s2  }
0x8d: {  	s2 =	sadd.s32 s2, s16  }
0x8e: {  	[smem:$0x3FC3] =	sst s2  }
0x8f: {  	_ = 	snop  }
0x90: {  	(tm) =	ssettm $0x1  }
0x91: {  	s17 =	sld [smem:$0x3FFB];
	_ =	sdelay $0x3  }
0x92: {  	_ =	strace s17  }
0x93: {  	s2 =	sld [smem:$0x3FFC];
	_ =	sdelay $0x3  }
0x94: {  	_ =	strace s2  }
0x95: {  	s2 =	sld [smem:$0x3FFD];
	_ =	sdelay $0x3  }
0x96: {  	_ =	strace s2  }
0x97: {  	_ =	strace $0x8FFFFFFF  }
0x98: {  	s18 =	sld [smem:$0x3FDB];
	_ =	sdelay $0x1  }
0x99: {  	s19 =	simm.s32 $_scs_section_size  }
0x9a: {  	s4 =	simm.s32 $_size__tile_overlayer_lowered;
	s5 =	simm.s32 $_tile_overlayer_lowered  }
0x9b: {  	s22 =	simm.s32 $0x1BFF;
	s21 =	sshll.u32 s5, $0x1;
	s2 =	sadd.s32 s19, s18  }
0x9c: {  	s6 =	simm.s32 $0x0;
	s20 =	sshll.u32 s4, $0x1;
	s4 =	sadd.s32 s21, s2  }
0x9d: {  	[timem:s6], [sflag:s22] =	dma.local [hbm:s4], s20  }
0x9e: {  	_ =	swait.ge [sflag:s22], s20  }
0x9f: {  	s3 =	ssub.s32 $0x0, s20;
	[sflag:s22] =	ssyncset.done $0x0  }
0xa0: {  	[sflag:s22] =	ssyncadd.s32 s3;
	_ =	sdelay $0x1  }
0xa1: {  	s23 =	simm.s32 $0x1B8B  }
0xa2: {  	_ =	swait.ge [sflag:s23], $0x1  }
0xa3: {  	[sflag:s23] =	ssyncset.done $0x0  }
0xa4: {  	s25 =	simm.s32 $0x1B8E;
	s24 =	sld [smem:$0x3FFE];
	[sflag:s23] =	ssyncadd.s32 $0xFFFFFFFF  }
0xa5: {  	s26 =	simm.s32 $execute0_lowered;
	[smem:$0x3FD2] =	sst s25  }
0xa6: {  	s4 =	sshll.u32 s26, $0x1;
	_ =	strace $0x80000046;
	[dreg:$0x1] =	wrdreg $0xFFFFFFFF  }
0xa7: {  	s28 =	simm.s32 $_size_execute0_lowered;
	s2 =	sadd.s32 s2, s4;
	[dreg:$0x0] =	wrdreg $0x0  }
0xa8: {  	s4 =	sshll.u32 s28, $0x1;
	[dreg:$0x2] =	wrdreg s2  }
0xa9: {  	[dreg:$0x3] =	wrdreg s4  }
0xaa: {  	[dreg:$0x4] =	wrdreg $0xC0  }
0xab: {  	_ =	task [dreg:s6], $0x5FFFF  }
0xac: {  	[dreg:$0x1] =	wrdreg $0xFFFFFFFF  }
0xad: {  	[dreg:$0x0] =	wrdreg $0x60  }
0xae: {  	[dreg:$0x2] =	wrdreg s24  }
0xaf: {  	[dreg:$0x3] =	wrdreg $0x9  }
0xb0: {  	_ =	task.clear_ibuf [dreg:s6], $0x4FFFF;
	_ =	strace $0x90000046  }
0xb1: {  	s29 =	simm.s32 $0x9;
	_ =	strace $0x80000048  }
0xb2: {  	_ =	swait.ge [sflag:s29], $0x1  }
0xb3: {  	[sflag:s29] =	ssyncadd.s32 $0xFFFFFFFF  }
0xb4: {  	_ =	strace $0x90000048  }
0xb5: {  	_ =	sfence  }
0xb6: {  	s30 =	sld [smem:$0x0];
	_ =	sdelay $0x2  }
0xb7: {  	s31 =	sshll.u32 s1, $0xD;
	s1 =	sshrl.u32 s1, $0x2  }
0xb8: {  	s3 =	sand.u32 $0x4000, s31;
	s1 =	sadd.s32 s1, s30  }
0xb9: {  	s0 =	sor.u32 s3, s0;
	s1 =	sshll.u32 s1, $0x11  }
0xba: {  	s0 =	sor.u32 s1, s0  }
0xbb: {  	s0 =	sadd.s32 $0x8F2B, s0  }
0xbc: {  	[sflag:s0] =	ssyncadd.remote.s32 $0x1  }
0xbd: {  	_ =	sfence.sel $0xFFFF  }
0xbe: {  	[dreg:$0x0] =	wrdreg $0xFFFFFFFF;
	(pc) =	sbr.abs _section_cstart, $3  }
0xbf: {  	[dreg:$0x1] =	wrdreg $0xFFFFFFFF  }
0xc0: {  	_ =	task.clear_ibuf [dreg:s6], $0x2FFFF;
	_ =	strace $0x9FFFFFFF  }
0xc1: {  	(tm) =	ssettm $0x7FFFFFFF  }
tec
execute0_lowered:
.L_overlay_start_1:
0x0: {  	(tag) =	ssettag $0x1  }
0x1: {  	s1 =	srdreg.scid;
	s0 =	stileid.u32  }
0x2: {  	s8 =	sand.u32 $0x1, s1;
	s31 =	sshrl.u32 s0, $0x2;
	s2 =	sshll.u32 s0, $0x8  }
0x3: {  	s1 =	smul.u32 $0xC400, s31;
	s3 =	sshll.u32 s8, $0x7;
	s2 =	sand.u32 $0x300, s2  }
0x4: {  	s7 =	rddreg [dreg:$0x0];
	s2 =	sor.u32 s3, s2  }
0x5: {  	s4 =	simm.s32 $0x80;
	s6 =	simm.s32 $0x400;
	s3 =	sor.u32 s1, s2  }
0x6: {  	s5 =	simm.s32 $0x2;
	s2 =	simm.s32 $0x0;
	s3 =	sshrl.u32 s3, $0x3  }
0x7: {  	s11 =	ssub.s32 $0x2, s8;
	[smem:$0x7FF] =	sst s2;
	s10 =	sadd.s32 s3, s7  }
0x8: {  	s1 =	rddreg [dreg:$0x1];
	_ =	strace $0x80000047;
	s3 =	sadd.s32 $0xC800, s10  }
0x9: {  	[tilespmem:s2], [sflag:$0x2] =	stream.strided.gather [hbm4b:s3+s4], $0x1880, s6, s4, $0x38;
	[tilespmem:$0x3100] =	vst v63  }
0xa: {  	s9 =	simm.s32 $0x1;
	s12 =	sshrl.u32 s11, $0x1;
	_ =	swait.ge [sflag:s5], $0x1880  }
0xb: {  	s8 =	simm.s32 $0x1880;
	s11 =	ssub.s32 s11, s12;
	[sflag:s5] =	ssyncset.done $0x0  }
0xc: {  	s11 =	smax.u32 s11, $0x1;
	s7 =	sadd.s32 $0x31FE00, s7;
	[sflag:s5] =	ssyncadd.s32 $0xFFFFE780  }
0xd: {  	[tilespmem:s8], [sflag:$0x1] =	stream.indirect.gather [hbm4b:s7+s8], $0x1, s2, s8, $0xb8;
	[tilespmem:$0x3100] =	vst v63  }
0xe: {  	p0 =	sne.s32 s11, $0x1;
	_ =	swait.ge [sflag:s9], $0x1880  }
.Ltmp0:
0xf: {  	[sflag:s9] =	ssyncset.done $0x0;
	(pc) =	sbr.rel @!p0 .LBB2_2-.Ltmp0, $4  }
0x10: {  	s10 =	sadd.s32 $0x508400, s10;
	[sflag:s9] =	ssyncadd.s32 $0xFFFFE780  }
0x11: {  	[hbm4b:s10+s4] =	stream.strided.scatter [tilespmem:s8], [sflag:$0x2], $0x1880, s6, s4, $0x38;
	[tilespmem:$0x3100] =	vst v63  }
0x12: {  	_ =	swait.ge [sflag:s5], $0x1880  }
0x13: {  	s11 =	sadd.s32 $0xFFFFFFFF, s11;
	[sflag:s5] =	ssyncset.done $0x0  }
.LBB2_1:
0x14: {  	p0 =	sne.s32 s11, $0x1;
	s11 =	sadd.s32 $0xFFFFFFFF, s11;
	[sflag:s5] =	ssyncadd.s32 $0xFFFFE780  }
0x15: {  	[tilespmem:s2], [sflag:$0x2] =	stream.strided.gather [hbm4b:s3+s4], $0x1880, s6, s4, $0x38;
	[tilespmem:$0x3100] =	vst v63  }
0x16: {  	_ =	swait.ge [sflag:s5], $0x1880  }
0x17: {  	[sflag:s5] =	ssyncset.done $0x0  }
0x18: {  	[sflag:s5] =	ssyncadd.s32 $0xFFFFE780  }
0x19: {  	[tilespmem:s8], [sflag:$0x1] =	stream.indirect.gather [hbm4b:s7+s8], $0x1, s2, s8, $0xb8;
	[tilespmem:$0x3100] =	vst v63  }
0x1a: {  	_ =	swait.ge [sflag:s9], $0x1880  }
.Ltmp1:
0x1b: {  	[sflag:s9] =	ssyncset.done $0x0;
	(pc) =	sbr.rel @p0 .LBB2_1-.Ltmp1, $4  }
0x1c: {  	[sflag:s9] =	ssyncadd.s32 $0xFFFFE780  }
0x1d: {  	[hbm4b:s10+s4] =	stream.strided.scatter [tilespmem:s8], [sflag:$0x2], $0x1880, s6, s4, $0x38;
	[tilespmem:$0x3100] =	vst v63  }
0x1e: {  	_ =	swait.ge [sflag:s5], $0x1880  }
0x1f: {  	[sflag:s5] =	ssyncset.done $0x0  }
.LBB2_2:
0x20: {  	[sflag:s5] =	ssyncadd.s32 $0xFFFFE780  }
0x21: {  	_ =	sfence.sel $0x180000  }
0x22: {  	[bflag:$0x0] =	sbarrier.arrive $0xFFFF  }
0x23: {  	p0 =	sne.s32 s0, $0x0;
	_ =	strace $0x90000047  }
0x24: {  	s0 =	sadd.s32 @!p0 $0x100000, s1;
	[bflag:$0x2] =	sbarrier.arrive $0xFFFF  }
0x25: {  	[sflag:s0] =	ssyncadd.tile.s32 @!p0 $0x1;
	_ =	shalt  }
.Lfunc_end2:
_tile_overlayer_lowered:
.L_overlay_start_2:
0x26: {  	(tag) =	ssettag $0x2  }
0x27: {  	s0 =	rddreg [dreg:$0x0];
	s2 =	stileid.u32  }
0x28: {  	s1 =	rddreg [dreg:$0x1];
	p0 =	sne.s32 s2, $0x0  }
0x29: {  	s3 =	rddreg [dreg:$0x2];
	[bflag:$0x3] =	sbarrier.arrive $0xFFFF;
	s2 =	simm.s32 @!p0 $0x1C02  }
0x2a: {  	[timem:s3], [sflag:s2] =	dma.local @!p0 [hbm:s0], s1  }
0x2b: {  	s0 =	simm.s32 @!p0 $0x2  }
0x2c: {  	_ =	swait.ge @!p0 [sflag:s0], s1  }
0x2d: {  	s1 =	ssub.s32 @!p0 $0x0, s1;
	[sflag:s0] =	ssyncset.done @!p0 $0x0  }
0x2e: {  	[sflag:s0] =	ssyncadd.s32 @!p0 s1  }
0x2f: {  	[bflag:$0x3] =	sbarrier.arrive $0xFFFF  }
0x30: {  	_ =	shalt  }

</sc_bundles>
